<compile_context>
chip_gen: v7x
topology: tpu7x:2x2x1
jax: 0.10.2.dev20260603
libtpu: 0.0.44.dev20260713+nightly
codegen_flags: <defaults>
</compile_context>

<pallas_src>
import functools

import jax
import jax.numpy as jnp
from jax import lax
from jax.experimental import pallas as pl
from jax.experimental.pallas import tpu as pltpu
from jax.experimental.pallas import tpu_sc as plsc

R_CUT = 5.0
N_RBF = 16
SPHC_NORM = 32.0

_C0 = 0.28209479177387814
_C1 = 0.4886025119029199
_C2A = 1.0925484305920792
_C2B = 0.31539156525252005
_C2C = 0.5462742152960396

_COS_COEF = (0.9999999922898466, -4.934801388370915, 4.058698262269046,
             -1.335174453410593, 0.2350633717632637, -0.02539111138456386,
             0.001605362776714614)

_EDGE_BLOCK = 2560


def _tc_body(rt_ref, sph_ref, g_ref):
    x = rt_ref[0:1, :]
    y = rt_ref[1:2, :]
    zc = rt_ref[2:3, :]
    d2 = x * x + y * y + zc * zc
    inv = lax.rsqrt(d2)
    d = d2 * inv
    ux = x * inv
    uy = y * inv
    uz = zc * inv
    phi = jnp.where(d < R_CUT, 0.5 * (jnp.cos((jnp.pi / R_CUT) * d) + 1.0), 0.0)
    mu = (R_CUT / (N_RBF - 1)) * lax.broadcasted_iota(
        jnp.int32, (N_RBF, 1), 0).astype(jnp.float32)
    rbf_cut = jnp.exp(-10.0 * (d - mu) ** 2) * phi
    sph = jnp.concatenate([
        jnp.full_like(ux, _C0),
        _C1 * ux, _C1 * uy, _C1 * uz,
        _C2A * ux * uy, _C2A * uy * uz, _C2B * (3.0 * uz * uz - 1.0),
        _C2A * ux * uz, _C2C * (ux * ux - uy * uy),
    ], axis=0)
    sph_ref[...] = sph
    g_ref[...] = sph[:, None, :] * rbf_cut[None, :, :]


def _tc_main(rt, n_edges):
    b = _EDGE_BLOCK
    grid = n_edges // b
    return pl.pallas_call(
        _tc_body,
        grid=(grid,),
        in_specs=[pl.BlockSpec((3, b), lambda i: (0, i))],
        out_specs=[
            pl.BlockSpec((9, b), lambda i: (0, i)),
            pl.BlockSpec((9, 16, b), lambda i: (0, 0, i)),
        ],
        out_shape=[
            jax.ShapeDtypeStruct((9, n_edges), jnp.float32),
            jax.ShapeDtypeStruct((9, 16, n_edges), jnp.float32),
        ],
    )(rt)


def _edge_weights(x, y, z):
    d2 = x * x + y * y + z * z
    i = plsc.bitcast(d2, jnp.int32)
    i = 0x5F3759DF - (i >> 1)
    yv = plsc.bitcast(i, jnp.float32)
    for _ in range(3):
        yv = yv * (1.5 - 0.5 * d2 * yv * yv)
    inv = yv
    ux = x * inv
    uy = y * inv
    uz = z * inv
    s = d2 * (1.0 / (R_CUT * R_CUT))
    c = jnp.float32(_COS_COEF[6])
    for k in (5, 4, 3, 2, 1, 0):
        c = c * s + jnp.float32(_COS_COEF[k])
    phi = jnp.where(s < 1.0, 0.5 * (c + 1.0), jnp.float32(0.0))
    return (
        _C0 * phi,
        (_C1 * phi) * ux, (_C1 * phi) * uy, (_C1 * phi) * uz,
        (_C2A * phi) * ux * uy, (_C2A * phi) * uy * uz,
        (_C2B * phi) * (3.0 * uz * uz - 1.0), (_C2A * phi) * ux * uz,
        (_C2C * phi) * (ux * ux - uy * uy),
    )


def _chi_sc_call(r2d, idx2d, n_nodes, n_edges):
    rows_per_sub = ((n_nodes + 16 * 8 - 1) // (16 * 8)) * 8
    n_pad = rows_per_sub * 16
    mesh = plsc.VectorSubcoreMesh(core_axis_name="c", subcore_axis_name="s")
    n_full = n_edges // 1024
    tail_edges = n_edges - n_full * 1024
    tail_inner = tail_edges // 128
    n_chunks = n_full + (1 if tail_edges else 0)
    iters = (n_chunks + 31) // 32

    @functools.partial(
        pl.kernel,
        mesh=mesh,
        out_type=jax.ShapeDtypeStruct((2, n_pad, 16), jnp.float32),
        scratch_types=[
            pltpu.VMEM((8, 128), jnp.int32),
            pltpu.VMEM((24, 128), jnp.float32),
            pltpu.VMEM((128, 16), jnp.float32),
            pltpu.VMEM((rows_per_sub, 16), jnp.float32),
            pltpu.VMEM_SHARED((n_pad, 16), jnp.float32),
        ],
        compiler_params=pltpu.CompilerParams(needs_layout_passes=False),
    )
    def chi_kernel(r_hbm, idx_hbm, out_hbm, idxv, rv, sv, tmp, acc):
        cid = lax.axis_index("c")
        sid = lax.axis_index("s")
        wid = sid * 2 + cid

        zero16 = jnp.zeros((16,), jnp.float32)

        def zrow(i, _):
            tmp[i, :] = zero16
            return 0

        lax.fori_loop(0, rows_per_sub, zrow, 0)

        def zrow2(i, _):
            sv[i, :] = zero16
            return 0

        lax.fori_loop(0, 128, zrow2, 0)

        r0 = sid * rows_per_sub
        pltpu.sync_copy(tmp, acc.at[pl.ds(r0, rows_per_sub)])
        plsc.subcore_barrier()

        lanes = lax.iota(jnp.int32, 16)

        def inner(k):
            for gidx in range(8):
                el = gidx * 16 + lanes
                p0 = (384 * k) + el * 3
                x = plsc.load_gather(rv, [p0 >> 7, p0 & 127])
                y = plsc.load_gather(rv, [(p0 + 1) >> 7, (p0 + 1) & 127])
                z = plsc.load_gather(rv, [(p0 + 2) >> 7, (p0 + 2) & 127])
                w = _edge_weights(x, y, z)
                for j in range(9):
                    plsc.store_scatter(
                        sv, [el, jnp.full((16,), j, jnp.int32)], w[j])
            pltpu.sync_copy(sv, acc.at[idxv.at[k]], add=True)

        def chunk_body(i, _):
            c = i * 32 + wid

            @pl.when(c < n_full)
            def _():
                pltpu.sync_copy(idx_hbm.at[pl.ds(8 * c, 8)], idxv)
                pltpu.sync_copy(r_hbm.at[pl.ds(24 * c, 24)], rv)
                for k in range(8):
                    inner(k)

            if tail_edges:
                @pl.when(c == n_full)
                def _():
                    pltpu.sync_copy(
                        idx_hbm.at[pl.ds(8 * n_full, tail_edges // 128)],
                        idxv.at[pl.ds(0, tail_edges // 128)])
                    pltpu.sync_copy(
                        r_hbm.at[pl.ds(24 * n_full, 3 * tail_edges // 128)],
                        rv.at[pl.ds(0, 3 * tail_edges // 128)])
                    for k in range(tail_inner):
                        inner(k)

            return 0

        lax.fori_loop(0, iters, chunk_body, 0)

        plsc.subcore_barrier()
        pltpu.sync_copy(acc.at[pl.ds(r0, rows_per_sub)], tmp)
        pltpu.sync_copy(tmp, out_hbm.at[cid, pl.ds(r0, rows_per_sub)])

    return chi_kernel(r2d, idx2d)


def _combine(partials, n_nodes):
    def body(p_ref, chi_ref):
        chi_ref[...] = (
            p_ref[0, :n_nodes, :9] + p_ref[1, :n_nodes, :9]
        ) * (1.0 / SPHC_NORM)

    return pl.pallas_call(
        body,
        out_shape=jax.ShapeDtypeStruct((n_nodes, 9), jnp.float32),
    )(partials)


def kernel(pairwise_distances, idx_i, z):
    n_edges = pairwise_distances.shape[0]
    n_nodes = z.shape[0]
    n_chunks = n_edges // 128

    rt = pairwise_distances.T
    sph_t, g_t = _tc_main(rt, n_edges)
    sph = sph_t.T
    g = jnp.transpose(g_t, (2, 0, 1))

    _BISECT_TC_ONLY = True
    if _BISECT_TC_ONLY:
        d_ij = jnp.linalg.norm(pairwise_distances, axis=-1)
        phi = jnp.where(d_ij < R_CUT,
                        0.5 * (jnp.cos(jnp.pi * d_ij / R_CUT) + 1.0), 0.0)
        chi = jax.ops.segment_sum(
            sph * phi[:, None], idx_i, num_segments=n_nodes) / SPHC_NORM
    else:
        r2d = pairwise_distances.reshape(n_edges * 3 // 128, 128)
        idx2d = idx_i.astype(jnp.int32).reshape(n_chunks, 128)
        partials = _chi_sc_call(r2d, idx2d, n_nodes, n_edges)
        chi = _combine(partials, n_nodes)
    return sph, chi, g

# --- scband reference (transcript-rebuilt; emitter-appended) ---
"""Pipeline reference for scband-spherical-harmonics-78099685310648 (READ-ONLY COPY).

The authoritative reference and input builder live on the scoring server;
editing this copy changes nothing except your own understanding.
"""

import jax, jax.numpy as jnp
import numpy as np

R_CUT = 5.0
N_RBF = 16
N_NODES = 10000
N_EDGES = 320000
SPHC_NORM = 32.0  # mp_normalization (~avg degree)


def _sph_l0(u):
    # Y_0^0 constant
    return jnp.full(u.shape[:-1] + (1,), 0.28209479177387814, dtype=u.dtype)


def _sph_l1(u):
    # real Y_1^m on unit vectors, Cartesian order (x, y, z)
    c = 0.4886025119029199
    return c * u


def _sph_l2(u):
    x, y, z = u[..., 0], u[..., 1], u[..., 2]
    c1 = 1.0925484305920792
    c2 = 0.31539156525252005
    c3 = 0.5462742152960396
    return jnp.stack([
        c1 * x * y,
        c1 * y * z,
        c2 * (3.0 * z * z - 1.0),
        c1 * x * z,
        c3 * (x * x - y * y),
    ], axis=-1)


def radial_basis_fn(d):
    # Gaussian RBF expansion, d: [E, 1] -> [E, N_RBF]
    mu = jnp.linspace(0.0, R_CUT, N_RBF, dtype=jnp.float32)
    gamma = 10.0
    return jnp.exp(-gamma * (d - mu[None, :]) ** 2)


def cut_fn(d):
    # cosine cutoff, d: [E] -> [E]
    return jnp.where(d < R_CUT, 0.5 * (jnp.cos(jnp.pi * d / R_CUT) + 1.0), 0.0)


def setup_inputs(seed: int = 0) -> dict:
    key = jax.random.key(seed)
    k1, k2, k3 = jax.random.split(key, 3)
    pairwise_distances = jax.random.normal(k1, (N_EDGES, 3), dtype=jnp.float32)
    idx_i = jax.random.randint(k2, (N_EDGES,), 0, N_NODES)
    z = jax.random.randint(k3, (N_NODES,), 0, 100)
    return {"pairwise_distances": pairwise_distances, "idx_i": idx_i, "z": z}


def reference(pairwise_distances, idx_i, z):
    # d_ij = ||r_ij||
    d_ij = jnp.linalg.norm(pairwise_distances, axis=-1)
    # radial basis on distances
    rbf_ij = radial_basis_fn(d_ij[:, None])
    # smooth cutoff
    phi_r_cut = cut_fn(d_ij)
    # unit direction vectors
    unit_r_ij = pairwise_distances / d_ij[:, None]
    # spherical harmonics for degrees [0, 1, 2], concatenated -> [E, 9]
    sph_harms_ij = jnp.concatenate(
        [_sph_l0(unit_r_ij), _sph_l1(unit_r_ij), _sph_l2(unit_r_ij)], axis=-1)
    # sphc init: chi = scatter-add of cutoff-weighted sph harmonics per dst node
    # (torch.bincount(idx_i, weights=..., minlength=len(z)) == segment_sum)
    weighted = sph_harms_ij * phi_r_cut[:, None]
    chi = jax.ops.segment_sum(weighted, idx_i, num_segments=z.shape[0]) / SPHC_NORM
    # solid harmonics: outer product of sph harmonics and cutoff-weighted rbf
    rbf_cut = rbf_ij * phi_r_cut[:, None]
    g_ij = sph_harms_ij[:, :, None] * rbf_cut[:, None, :]
    return sph_harms_ij, chi, g_ij

if __name__ == "__main__":
    import jax
    _d = setup_inputs()
    print(jax.jit(kernel)(*tuple(_d.values())))

</pallas_src>

<mosaic_0001>
module attributes {stable_mosaic.version = 14 : i64} {
  func.func @_tc_body(%arg0: i32, %arg1: memref<3x2560xf32, #tpu.memory_space<vmem>>, %arg2: memref<9x2560xf32, #tpu.memory_space<vmem>>, %arg3: memref<9x16x2560xf32, #tpu.memory_space<vmem>>) attributes {dimension_semantics = [#tpu.dimension_semantics<arbitrary>], iteration_bounds = array<i64: 125>, scalar_prefetch = 0 : i64, scratch_operands = 0 : i64, tpu.core_type = #tpu.core_type<tc>, window_params = [{transform_indices = @transform_0, window_bounds = array<i64: 3, 2560>}, {transform_indices = @transform_1, window_bounds = array<i64: 9, 2560>}, {transform_indices = @transform_2, window_bounds = array<i64: 9, 16, 2560>}]} {
    %get3A = arith.constant 0 : index
    %get3A_0 = arith.constant 0 : index
    %get3A_1 = vector.load %arg1[%get3A, %get3A_0] : memref<3x2560xf32, #tpu.memory_space<vmem>>, vector<1x2560xf32>
    %get3A_2 = arith.constant 1 : index
    %get3A_3 = arith.constant 0 : index
    %get3A_4 = vector.load %arg1[%get3A_2, %get3A_3] : memref<3x2560xf32, #tpu.memory_space<vmem>>, vector<1x2560xf32>
    %get3A_5 = arith.constant 2 : index
    %get3A_6 = arith.constant 0 : index
    %get3A_7 = vector.load %arg1[%get3A_5, %get3A_6] : memref<3x2560xf32, #tpu.memory_space<vmem>>, vector<1x2560xf32>
    %mul3A = arith.mulf %get3A_1, %get3A_1 : vector<1x2560xf32>
    %mul3A_8 = arith.mulf %get3A_4, %get3A_4 : vector<1x2560xf32>
    %add3A = arith.addf %mul3A, %mul3A_8 : vector<1x2560xf32>
    %mul3A_9 = arith.mulf %get3A_7, %get3A_7 : vector<1x2560xf32>
    %add3A_10 = arith.addf %add3A, %mul3A_9 : vector<1x2560xf32>
    %rsqrt3A = math.rsqrt %add3A_10 : vector<1x2560xf32>
    %mul3A_11 = arith.mulf %add3A_10, %rsqrt3A : vector<1x2560xf32>
    %mul3A_12 = arith.mulf %get3A_1, %rsqrt3A : vector<1x2560xf32>
    %mul3A_13 = arith.mulf %get3A_4, %rsqrt3A : vector<1x2560xf32>
    %mul3A_14 = arith.mulf %get3A_7, %rsqrt3A : vector<1x2560xf32>
    %lt3A = arith.constant 5.000000e+00 : f32
    %lt3A_15 = vector.broadcast %lt3A : f32 to vector<1x2560xf32>
    %lt3A_16 = arith.cmpf olt, %mul3A_11, %lt3A_15 : vector<1x2560xf32>
    %mul3A_17 = arith.constant 0.628318548 : f32
    %mul3A_18 = vector.broadcast %mul3A_17 : f32 to vector<1x2560xf32>
    %mul3A_19 = arith.mulf %mul3A_18, %mul3A_11 : vector<1x2560xf32>
    %cos3A = math.cos %mul3A_19 : vector<1x2560xf32>
    %add3A_20 = arith.constant 1.000000e+00 : f32
    %add3A_21 = vector.broadcast %add3A_20 : f32 to vector<1x2560xf32>
    %add3A_22 = arith.addf %cos3A, %add3A_21 : vector<1x2560xf32>
    %mul3A_23 = arith.constant 5.000000e-01 : f32
    %mul3A_24 = vector.broadcast %mul3A_23 : f32 to vector<1x2560xf32>
    %mul3A_25 = arith.mulf %mul3A_24, %add3A_22 : vector<1x2560xf32>
    %jit3A = arith.constant 0.000000e+00 : f32
    %broadcast_in_dim3A = vector.broadcast %jit3A : f32 to vector<1x2560xf32>
    %select_n3A = arith.select %lt3A_16, %mul3A_25, %broadcast_in_dim3A : vector<1x2560xi1>, vector<1x2560xf32>
    %iota3A = tpu.iota {dimensions = array<i32: 0>} : vector<16x1xi32>
    %convert_element_type3A = arith.sitofp %iota3A : vector<16x1xi32> to vector<16x1xf32>
    %mul3A_26 = arith.constant 0.333333343 : f32
    %mul3A_27 = vector.broadcast %mul3A_26 : f32 to vector<16x1xf32>
    %mul3A_28 = arith.mulf %mul3A_27, %convert_element_type3A : vector<16x1xf32>
    %sub3A = vector.broadcast %mul3A_11 : vector<1x2560xf32> to vector<16x2560xf32>
    %sub3A_29 = vector.broadcast %mul3A_28 : vector<16x1xf32> to vector<16x2560xf32>
    %sub3A_30 = arith.subf %sub3A, %sub3A_29 : vector<16x2560xf32>
    %integer_pow3A = arith.mulf %sub3A_30, %sub3A_30 : vector<16x2560xf32>
    %mul3A_31 = arith.constant -1.000000e+01 : f32
    %mul3A_32 = vector.broadcast %mul3A_31 : f32 to vector<16x2560xf32>
    %mul3A_33 = arith.mulf %mul3A_32, %integer_pow3A : vector<16x2560xf32>
    %exp3A = math.exp %mul3A_33 : vector<16x2560xf32>
    %mul3A_34 = vector.broadcast %select_n3A : vector<1x2560xf32> to vector<16x2560xf32>
    %mul3A_35 = arith.mulf %exp3A, %mul3A_34 : vector<16x2560xf32>
    %broadcast_in_dim3A_36 = arith.constant 0.282094806 : f32
    %broadcast_in_dim3A_37 = vector.broadcast %broadcast_in_dim3A_36 : f32 to vector<1x2560xf32>
    %mul3A_38 = arith.constant 0.488602519 : f32
    %mul3A_39 = vector.broadcast %mul3A_38 : f32 to vector<1x2560xf32>
    %mul3A_40 = arith.mulf %mul3A_39, %mul3A_12 : vector<1x2560xf32>
    %mul3A_41 = arith.constant 0.488602519 : f32
    %mul3A_42 = vector.broadcast %mul3A_41 : f32 to vector<1x2560xf32>
    %mul3A_43 = arith.mulf %mul3A_42, %mul3A_13 : vector<1x2560xf32>
    %mul3A_44 = arith.constant 0.488602519 : f32
    %mul3A_45 = vector.broadcast %mul3A_44 : f32 to vector<1x2560xf32>
    %mul3A_46 = arith.mulf %mul3A_45, %mul3A_14 : vector<1x2560xf32>
    %mul3A_47 = arith.constant 1.09254849 : f32
    %mul3A_48 = vector.broadcast %mul3A_47 : f32 to vector<1x2560xf32>
    %mul3A_49 = arith.mulf %mul3A_48, %mul3A_12 : vector<1x2560xf32>
    %mul3A_50 = arith.mulf %mul3A_49, %mul3A_13 : vector<1x2560xf32>
    %mul3A_51 = arith.constant 1.09254849 : f32
    %mul3A_52 = vector.broadcast %mul3A_51 : f32 to vector<1x2560xf32>
    %mul3A_53 = arith.mulf %mul3A_52, %mul3A_13 : vector<1x2560xf32>
    %mul3A_54 = arith.mulf %mul3A_53, %mul3A_14 : vector<1x2560xf32>
    %mul3A_55 = arith.constant 3.000000e+00 : f32
    %mul3A_56 = vector.broadcast %mul3A_55 : f32 to vector<1x2560xf32>
    %mul3A_57 = arith.mulf %mul3A_56, %mul3A_14 : vector<1x2560xf32>
    %mul3A_58 = arith.mulf %mul3A_57, %mul3A_14 : vector<1x2560xf32>
    %sub3A_59 = arith.constant 1.000000e+00 : f32
    %sub3A_60 = vector.broadcast %sub3A_59 : f32 to vector<1x2560xf32>
    %sub3A_61 = arith.subf %mul3A_58, %sub3A_60 : vector<1x2560xf32>
    %mul3A_62 = arith.constant 0.31539157 : f32
    %mul3A_63 = vector.broadcast %mul3A_62 : f32 to vector<1x2560xf32>
    %mul3A_64 = arith.mulf %mul3A_63, %sub3A_61 : vector<1x2560xf32>
    %mul3A_65 = arith.constant 1.09254849 : f32
    %mul3A_66 = vector.broadcast %mul3A_65 : f32 to vector<1x2560xf32>
    %mul3A_67 = arith.mulf %mul3A_66, %mul3A_12 : vector<1x2560xf32>
    %mul3A_68 = arith.mulf %mul3A_67, %mul3A_14 : vector<1x2560xf32>
    %mul3A_69 = arith.mulf %mul3A_12, %mul3A_12 : vector<1x2560xf32>
    %mul3A_70 = arith.mulf %mul3A_13, %mul3A_13 : vector<1x2560xf32>
    %sub3A_71 = arith.subf %mul3A_69, %mul3A_70 : vector<1x2560xf32>
    %mul3A_72 = arith.constant 0.546274245 : f32
    %mul3A_73 = vector.broadcast %mul3A_72 : f32 to vector<1x2560xf32>
    %mul3A_74 = arith.mulf %mul3A_73, %sub3A_71 : vector<1x2560xf32>
    %concatenate3A = tpu.concatenate %broadcast_in_dim3A_37, %mul3A_40, %mul3A_43, %mul3A_46, %mul3A_50, %mul3A_54, %mul3A_64, %mul3A_68, %mul3A_74 in 0 : vector<1x2560xf32>, vector<1x2560xf32>, vector<1x2560xf32>, vector<1x2560xf32>, vector<1x2560xf32>, vector<1x2560xf32>, vector<1x2560xf32>, vector<1x2560xf32>, vector<1x2560xf32> -> vector<9x2560xf32>
    %swap3A = arith.constant 0 : index
    %swap3A_75 = arith.constant 0 : index
    %swap3A_76 = vector.load %arg2[%swap3A, %swap3A_75] : memref<9x2560xf32, #tpu.memory_space<vmem>>, vector<9x2560xf32>
    tpu.vector_store %arg2[%swap3A, %swap3A_75], %concatenate3A {strides = array<i32>} : memref<9x2560xf32, #tpu.memory_space<vmem>>, vector<9x2560xf32>,
    %broadcast_in_dim3A_77 = vector.shape_cast %concatenate3A : vector<9x2560xf32> to vector<9x1x2560xf32>
    %broadcast_in_dim3A_78 = vector.shape_cast %mul3A_35 : vector<16x2560xf32> to vector<1x16x2560xf32>
    %mul3A_79 = vector.broadcast %broadcast_in_dim3A_77 : vector<9x1x2560xf32> to vector<9x16x2560xf32>
    %mul3A_80 = vector.broadcast %broadcast_in_dim3A_78 : vector<1x16x2560xf32> to vector<9x16x2560xf32>
    %mul3A_81 = arith.mulf %mul3A_79, %mul3A_80 : vector<9x16x2560xf32>
    %swap3A_82 = arith.constant 0 : index
    %swap3A_83 = arith.constant 0 : index
    %swap3A_84 = arith.constant 0 : index
    %swap3A_85 = vector.load %arg3[%swap3A_82, %swap3A_83, %swap3A_84] : memref<9x16x2560xf32, #tpu.memory_space<vmem>>, vector<9x16x2560xf32>
    tpu.vector_store %arg3[%swap3A_82, %swap3A_83, %swap3A_84], %mul3A_81 {strides = array<i32>} : memref<9x16x2560xf32, #tpu.memory_space<vmem>>, vector<9x16x2560xf32>,
    return
  }
  func.func @transform_0(%arg0: i32) -> (i32, i32) {
    %c0_i32 = arith.constant 0 : i32
    %c0_i32_0 = arith.constant 0 : i32
    return %c0_i32, %arg0 : i32, i32
  }
  func.func @transform_1(%arg0: i32) -> (i32, i32) {
    %c0_i32 = arith.constant 0 : i32
    %c0_i32_0 = arith.constant 0 : i32
    return %c0_i32, %arg0 : i32, i32
  }
  func.func @transform_2(%arg0: i32) -> (i32, i32, i32) {
    %c0_i32 = arith.constant 0 : i32
    %c0_i32_0 = arith.constant 0 : i32
    %c0_i32_1 = arith.constant 0 : i32
    return %c0_i32, %c0_i32_0, %arg0 : i32, i32, i32
  }
}

</mosaic_0001>

<sc_bundles>
// kernel: scatter_offload_async_start
scs
__scs_entry_jumppad:
0x0: {  	(pc) =	sbr.rel $0x88, $3  }
0x1: {  	(tag) =	ssettag $0x0;
	lr =	simm.s32 $0x1  }
0x2: {  	[smem:$0x3F9F] =	sst lr;
	_ =	strace $0xD0000000  }
0x3: {  	_ = 	snop  }
0x4: {  	_ = 	snop  }
0x5: {  	_ = 	snop  }
0x6: {  	_ = 	snop  }
0x7: {  	_ = 	snop  }
__scs_overlays_trampoline_lowered:
0x8: {  	[smem:$0x3FAE] =	sst s0  }
0x9: {  	[smem:$0x3FAF] =	sst s1  }
0xa: {  	[smem:$0x3FB0] =	sst s2  }
0xb: {  	[smem:$0x3FB1] =	sst s3  }
0xc: {  	[smem:$0x3FB2] =	sst s4  }
0xd: {  	[smem:$0x3FB3] =	sst s5  }
0xe: {  	[smem:$0x3FB4] =	sst s6  }
0xf: {  	[smem:$0x3FB5] =	sst s7  }
0x10: {  	[smem:$0x3FB6] =	sst s8  }
0x11: {  	[smem:$0x3FB7] =	sst s9;
	s0 =	simm.s32 @!p0 $0x0  }
0x12: {  	s1 =	sld [smem:$0x3F9D];
	s0 =	simm.s32 @p0 $0x1  }
0x13: {  	[smem:$0x3FB8] =	sst s0;
	s0 =	simm.s32 @!p1 $0x0  }
0x14: {  	s2 =	sld [smem:$0x3F9C];
	s0 =	simm.s32 @p1 $0x1  }
0x15: {  	[smem:$0x3FB9] =	sst s0;
	s0 =	simm.s32 @!p2 $0x0  }
0x16: {  	s3 =	sld [smem:$0x3FDB];
	s0 =	simm.s32 @p2 $0x1  }
0x17: {  	s4 =	simm.s32 $0x1BF5;
	[smem:$0x3FBB] =	sst s0  }
0x18: {  	s0 =	sld [smem:$0x3F9E];
	_ =	swait.ge [sflag:s4], $0x0  }
0x19: {  	s7 =	sld [smem:$0x3F9F]  }
0x1a: {  	s8 =	sadd.s32 $0xFFFFE003, lr  }
0x1b: {  	s9 =	sadd.s32 $0xFFFFFEF7, lr;
	s5 =	simm.s32 $0xFFFFFFFF;
	p2 =	slt.u32 s8, $0xFFFFF086  }
0x1c: {  	p1 =	slt.u32 s9, $0xF7A;
	s5 =	simm.s32 @!p2 $0x0  }
0x1d: {  	s5 =	simm.s32 @p1 $0x1;
	p0 =	seq.s32 s7, s2  }
0x1e: {  	s7 =	smul.u32 @!p0 $0xF7A, s2;
	p2 =	seq.s32 @!p0 s5, $0x0  }
0x1f: {  	s9 =	smul.u32 $0xF7A, s1;
	s8 =	simm.s32 @!p0 $0x1BF5;
	p2 =	por !p2, p0  }
0x20: {  	[sflag:s8] =	ssyncset.s32 @!p0 $0xFFFFF086;
	s6 =	sadd.s32 @!p0 s3, s7;
	s7 =	simm.s32 @!p0 $0x108  }
0x21: {  	s3 =	sadd.s32 s3, s9;
	s6 =	sadd.s32 @!p0 $0x88, s6;
	s7 =	simm.s32 @p2 $0x1082  }
0x22: {  	[simem:s7], [sflag:s8] =	dma.local @!p0 [hbm:s6], $0xF7A  }
0x23: {  	s9 =	sor.u32 $0xD0000000, s2;
	s6 =	simm.s32 $0x108;
	_ =	swait.ge @!p0 [sflag:s8], $0x0  }
0x24: {  	s3 =	sadd.s32 $0x88, s3;
	s6 =	simm.s32 @!p1 $0x1082;
	[sflag:s4] =	ssyncset.s32 $0xFFFFF086  }
0x25: {  	[simem:s6], [sflag:s4] =	dma.local [hbm:s3], $0xF7A  }
0x26: {  	[smem:$0x3F9F] =	sst s1;
	(tag) =	ssettag s2;
	_ =	strace s9  }
0x27: {  	s1 =	sld [smem:$0x3FAF]  }
0x28: {  	s2 =	sld [smem:$0x3FB0]  }
0x29: {  	s4 =	sld [smem:$0x3FB2]  }
0x2a: {  	p0 =	seq.s32 s5, $0x0;
	s5 =	sld [smem:$0x3FB3]  }
0x2b: {  	s6 =	sld [smem:$0x3FB4]  }
0x2c: {  	s7 =	sld [smem:$0x3FB5]  }
0x2d: {  	s3 =	simm.s32 $0x108;
	s8 =	sld [smem:$0x3FB6]  }
0x2e: {  	s3 =	simm.s32 @!p0 $0x1082;
	s9 =	sld [smem:$0x3FB7]  }
0x2f: {  	lr =	sadd.s32 s0, s3;
	s0 =	sld [smem:$0x3FAE]  }
0x30: {  	s3 =	sld [smem:$0x3FB1]  }
0x31: {  	[smem:$0x3FBA] =	sst s10  }
0x32: {  	s10 =	sld [smem:$0x3FB8];
	_ =	sdelay $0x3  }
0x33: {  	p0 =	seq.s32 s10, $0x1;
	s10 =	sld [smem:$0x3FBA];
	_ =	sdelay $0x3  }
0x34: {  	[smem:$0x3FBA] =	sst s10  }
0x35: {  	s10 =	sld [smem:$0x3FB9];
	_ =	sdelay $0x3  }
0x36: {  	p1 =	seq.s32 s10, $0x1;
	s10 =	sld [smem:$0x3FBA];
	_ =	sdelay $0x3  }
0x37: {  	[smem:$0x3FBA] =	sst s10  }
0x38: {  	s10 =	sld [smem:$0x3FBB]  }
0x39: {  	_ = 	snop;
	(pc) =	sbr.ind lr, $3  }
0x3a: {  	_ = 	snop  }
0x3b: {  	_ = 	snop  }
0x3c: {  	p2 =	seq.s32 s10, $0x1;
	s10 =	sld [smem:$0x3FBA]  }
0x3d: {  	_ =	shalt  }
0x3e: {  	_ =	shalt  }
0x3f: {  	_ =	shalt  }
0x40: {  	_ =	shalt  }
0x41: {  	_ =	shalt  }
0x42: {  	_ =	shalt  }
0x43: {  	_ =	shalt  }
0x44: {  	_ =	shalt  }
0x45: {  	_ =	shalt  }
0x46: {  	_ =	shalt  }
0x47: {  	_ =	shalt  }
0x48: {  	_ =	shalt  }
0x49: {  	_ =	shalt  }
0x4a: {  	_ =	shalt  }
0x4b: {  	_ =	shalt  }
0x4c: {  	_ =	shalt  }
0x4d: {  	_ =	shalt  }
0x4e: {  	_ =	shalt  }
0x4f: {  	_ =	shalt  }
0x50: {  	_ =	shalt  }
0x51: {  	_ =	shalt  }
0x52: {  	_ =	shalt  }
0x53: {  	_ =	shalt  }
0x54: {  	_ =	shalt  }
0x55: {  	_ =	shalt  }
0x56: {  	_ =	shalt  }
0x57: {  	_ =	shalt  }
0x58: {  	_ =	shalt  }
0x59: {  	_ =	shalt  }
0x5a: {  	_ =	shalt  }
0x5b: {  	_ =	shalt  }
0x5c: {  	_ =	shalt  }
0x5d: {  	_ =	shalt  }
0x5e: {  	_ =	shalt  }
0x5f: {  	_ =	shalt  }
0x60: {  	_ =	shalt  }
0x61: {  	_ =	shalt  }
0x62: {  	_ =	shalt  }
0x63: {  	_ =	shalt  }
0x64: {  	_ =	shalt  }
0x65: {  	_ =	shalt  }
0x66: {  	_ =	shalt  }
0x67: {  	_ =	shalt  }
0x68: {  	_ =	shalt  }
0x69: {  	_ =	shalt  }
0x6a: {  	_ =	shalt  }
0x6b: {  	_ =	shalt  }
0x6c: {  	_ =	shalt  }
0x6d: {  	_ =	shalt  }
0x6e: {  	_ =	shalt  }
0x6f: {  	_ =	shalt  }
0x70: {  	_ =	shalt  }
0x71: {  	_ =	shalt  }
0x72: {  	_ =	shalt  }
0x73: {  	_ =	shalt  }
0x74: {  	_ =	shalt  }
0x75: {  	_ =	shalt  }
0x76: {  	_ =	shalt  }
0x77: {  	_ =	shalt  }
0x78: {  	_ =	shalt  }
0x79: {  	_ =	shalt  }
0x7a: {  	_ =	shalt  }
0x7b: {  	_ =	shalt  }
0x7c: {  	_ =	shalt  }
0x7d: {  	_ =	shalt  }
0x7e: {  	_ =	shalt  }
0x7f: {  	_ =	shalt  }
0x80: {  	_ =	shalt  }
0x81: {  	_ =	shalt  }
0x82: {  	_ =	shalt  }
0x83: {  	_ =	shalt  }
0x84: {  	_ =	shalt  }
0x85: {  	_ =	shalt  }
0x86: {  	_ =	shalt  }
0x87: {  	_ =	shalt  }
.Lfunc_end0:
.L_simem_size_0:
called_computation_lowered:
.L_overlay_start_0:
0x88: {  	s2 =	sld [smem:$0x3FD9]  }
0x89: {  	s3 =	sld [smem:$0x3FFE];
	_ =	sdelay $0x1  }
0x8a: {  	s1 =	srdreg.scid  }
0x8b: {  	s0 =	sand.u32 $0x1, s1  }
0x8c: {  	s15 =	sshll.u32 s0, $0xA;
	s2 =	sadd.s32 s3, s2  }
0x8d: {  	s2 =	sadd.s32 s2, s15  }
0x8e: {  	[smem:$0x3FC6] =	sst s2  }
0x8f: {  	_ = 	snop  }
0x90: {  	(tm) =	ssettm $0x1  }
0x91: {  	s16 =	sld [smem:$0x3FFB];
	_ =	sdelay $0x3  }
0x92: {  	_ =	strace s16  }
0x93: {  	s2 =	sld [smem:$0x3FFC];
	_ =	sdelay $0x3  }
0x94: {  	_ =	strace s2  }
0x95: {  	s2 =	sld [smem:$0x3FFD];
	_ =	sdelay $0x3  }
0x96: {  	_ =	strace s2  }
0x97: {  	_ =	strace $0x8FFFFFFF  }
0x98: {  	s17 =	sld [smem:$0x3FDB];
	_ =	sdelay $0x1  }
0x99: {  	s18 =	simm.s32 $_scs_section_size  }
0x9a: {  	s4 =	simm.s32 $_size__tile_overlayer_lowered;
	s5 =	simm.s32 $_tile_overlayer_lowered  }
0x9b: {  	s21 =	simm.s32 $0x1BFF;
	s20 =	sshll.u32 s5, $0x1;
	s2 =	sadd.s32 s18, s17  }
0x9c: {  	s6 =	simm.s32 $0x0;
	s19 =	sshll.u32 s4, $0x1;
	s4 =	sadd.s32 s20, s2  }
0x9d: {  	[timem:s6], [sflag:s21] =	dma.local [hbm:s4], s19  }
0x9e: {  	_ =	swait.ge [sflag:s21], s19  }
0x9f: {  	s3 =	ssub.s32 $0x0, s19;
	[sflag:s21] =	ssyncset.done $0x0  }
0xa0: {  	[sflag:s21] =	ssyncadd.s32 s3;
	_ =	sdelay $0x1  }
0xa1: {  	s22 =	simm.s32 $0x1B8B  }
0xa2: {  	_ =	swait.ge [sflag:s22], $0x1  }
0xa3: {  	[sflag:s22] =	ssyncset.done $0x0  }
0xa4: {  	s23 =	sld [smem:$0x3FFE];
	[sflag:s22] =	ssyncadd.s32 $0xFFFFFFFF  }
0xa5: {  	s25 =	simm.s32 $0x1B8E;
	s24 =	sld [smem:$0x0]  }
0xa6: {  	s26 =	simm.s32 $execute0_lowered;
	[smem:$0x3FD2] =	sst s25  }
0xa7: {  	s5 =	sshll.u32 s26, $0x1;
	_ =	strace $0x80000046;
	[dreg:$0x1] =	wrdreg $0xFFFFFFFF  }
0xa8: {  	s28 =	simm.s32 $_size_execute0_lowered;
	s2 =	sadd.s32 s2, s5;
	[dreg:$0x0] =	wrdreg $0x0  }
0xa9: {  	s5 =	sshll.u32 s28, $0x1;
	[dreg:$0x2] =	wrdreg s2  }
0xaa: {  	[dreg:$0x3] =	wrdreg s5  }
0xab: {  	[dreg:$0x4] =	wrdreg $0xC0  }
0xac: {  	_ =	task [dreg:s6], $0x5FFFF  }
0xad: {  	[dreg:$0x1] =	wrdreg $0xFFFFFFFF  }
0xae: {  	[dreg:$0x0] =	wrdreg $0x60  }
0xaf: {  	[dreg:$0x2] =	wrdreg s23  }
0xb0: {  	[dreg:$0x3] =	wrdreg s1  }
0xb1: {  	[dreg:$0x4] =	wrdreg s24  }
0xb2: {  	[dreg:$0x5] =	wrdreg $0x9  }
0xb3: {  	_ =	task.clear_ibuf [dreg:s6], $0x6FFFF;
	_ =	strace $0x90000046  }
0xb4: {  	s29 =	simm.s32 $0x9;
	_ =	strace $0x80000048  }
0xb5: {  	_ =	swait.ge [sflag:s29], $0x1  }
0xb6: {  	[sflag:s29] =	ssyncadd.s32 $0xFFFFFFFF  }
0xb7: {  	_ =	strace $0x90000048  }
0xb8: {  	_ =	sfence  }
0xb9: {  	s30 =	sld [smem:$0x0];
	_ =	sdelay $0x2  }
0xba: {  	s31 =	sshll.u32 s1, $0xD;
	s1 =	sshrl.u32 s1, $0x2  }
0xbb: {  	s3 =	sand.u32 $0x4000, s31;
	s1 =	sadd.s32 s1, s30  }
0xbc: {  	s0 =	sor.u32 s3, s0;
	s1 =	sshll.u32 s1, $0x11  }
0xbd: {  	s0 =	sor.u32 s1, s0  }
0xbe: {  	s0 =	sadd.s32 $0x8F2B, s0  }
0xbf: {  	[sflag:s0] =	ssyncadd.remote.s32 $0x1  }
0xc0: {  	_ =	sfence.sel $0xFFFF  }
0xc1: {  	[dreg:$0x0] =	wrdreg $0xFFFFFFFF;
	(pc) =	sbr.abs _section_cstart, $3  }
0xc2: {  	[dreg:$0x1] =	wrdreg $0xFFFFFFFF  }
0xc3: {  	_ =	task.clear_ibuf [dreg:s6], $0x2FFFF;
	_ =	strace $0x9FFFFFFF  }
0xc4: {  	(tm) =	ssettm $0x7FFFFFFF  }
0xc5: {  	_ =	shalt  }
tec
execute0_lowered:
.L_overlay_start_1:
0x0: {  	(tag) =	ssettag $0x1  }
0x1: {  	s4 =	rddreg [dreg:$0x0]  }
0x2: {  	s2 =	rddreg [dreg:$0x1];
	_ =	strace $0x80000047;
	s12 =	simm.s32 $0x1  }
0x3: {  	v0 =	vimm.s32 $0x0;
	[sflag:s12] =	ssyncpa.u1 $0x0  }
0x4: {  	[tilespmem:$0x28] =	vst v0  }
0x5: {  	[tilespmem:$0x38] =	vst v0  }
0x6: {  	[tilespmem:$0x48] =	vst v0  }
0x7: {  	[tilespmem:$0x58] =	vst v0  }
0x8: {  	[tilespmem:$0x68] =	vst v0  }
0x9: {  	[tilespmem:$0x78] =	vst v0  }
0xa: {  	[tilespmem:$0x88] =	vst v0  }
0xb: {  	[tilespmem:$0x98] =	vst v0  }
0xc: {  	[tilespmem:$0xA8] =	vst v0  }
0xd: {  	[tilespmem:$0xB8] =	vst v0  }
0xe: {  	[tilespmem:$0xC8] =	vst v0  }
0xf: {  	[tilespmem:$0xD8] =	vst v0  }
0x10: {  	[tilespmem:$0xE8] =	vst v0  }
0x11: {  	[tilespmem:$0xF8] =	vst v0  }
0x12: {  	[tilespmem:$0x108] =	vst v0  }
0x13: {  	[tilespmem:$0x118] =	vst v0  }
0x14: {  	[tilespmem:$0x128] =	vst v0  }
0x15: {  	[tilespmem:$0x138] =	vst v0  }
0x16: {  	[tilespmem:$0x148] =	vst v0  }
0x17: {  	[tilespmem:$0x158] =	vst v0  }
0x18: {  	[tilespmem:$0x168] =	vst v0  }
0x19: {  	[tilespmem:$0x178] =	vst v0  }
0x1a: {  	[tilespmem:$0x188] =	vst v0  }
0x1b: {  	[tilespmem:$0x198] =	vst v0  }
0x1c: {  	[tilespmem:$0x1A8] =	vst v0  }
0x1d: {  	[tilespmem:$0x1B8] =	vst v0  }
0x1e: {  	[tilespmem:$0x1C8] =	vst v0  }
0x1f: {  	[tilespmem:$0x1D8] =	vst v0  }
0x20: {  	[tilespmem:$0x1E8] =	vst v0  }
0x21: {  	[tilespmem:$0x1F8] =	vst v0  }
0x22: {  	[tilespmem:$0x208] =	vst v0  }
0x23: {  	[tilespmem:$0x218] =	vst v0  }
0x24: {  	[tilespmem:$0x228] =	vst v0  }
0x25: {  	[tilespmem:$0x238] =	vst v0  }
0x26: {  	[tilespmem:$0x248] =	vst v0  }
0x27: {  	[tilespmem:$0x258] =	vst v0  }
0x28: {  	[tilespmem:$0x268] =	vst v0  }
0x29: {  	[tilespmem:$0x278] =	vst v0  }
0x2a: {  	[tilespmem:$0x288] =	vst v0  }
0x2b: {  	[tilespmem:$0x298] =	vst v0  }
0x2c: {  	[tilespmem:$0x2A8] =	vst v0  }
0x2d: {  	[tilespmem:$0x2B8] =	vst v0  }
0x2e: {  	[tilespmem:$0x2C8] =	vst v0  }
0x2f: {  	[tilespmem:$0x2D8] =	vst v0  }
0x30: {  	[tilespmem:$0x2E8] =	vst v0  }
0x31: {  	[tilespmem:$0x2F8] =	vst v0  }
0x32: {  	[tilespmem:$0x308] =	vst v0  }
0x33: {  	[tilespmem:$0x318] =	vst v0  }
0x34: {  	[tilespmem:$0x328] =	vst v0  }
0x35: {  	[tilespmem:$0x338] =	vst v0  }
0x36: {  	[tilespmem:$0x348] =	vst v0  }
0x37: {  	[tilespmem:$0x358] =	vst v0  }
0x38: {  	[tilespmem:$0x368] =	vst v0  }
0x39: {  	[tilespmem:$0x378] =	vst v0  }
0x3a: {  	[tilespmem:$0x388] =	vst v0  }
0x3b: {  	[tilespmem:$0x398] =	vst v0  }
0x3c: {  	[tilespmem:$0x3A8] =	vst v0  }
0x3d: {  	[tilespmem:$0x3B8] =	vst v0  }
0x3e: {  	[tilespmem:$0x3C8] =	vst v0  }
0x3f: {  	[tilespmem:$0x3D8] =	vst v0  }
0x40: {  	[tilespmem:$0x3E8] =	vst v0  }
0x41: {  	[tilespmem:$0x3F8] =	vst v0  }
0x42: {  	[tilespmem:$0x408] =	vst v0  }
0x43: {  	[tilespmem:$0x418] =	vst v0  }
0x44: {  	[tilespmem:$0x428] =	vst v0  }
0x45: {  	[tilespmem:$0x438] =	vst v0  }
0x46: {  	[tilespmem:$0x448] =	vst v0  }
0x47: {  	[tilespmem:$0x458] =	vst v0  }
0x48: {  	[tilespmem:$0x468] =	vst v0  }
0x49: {  	[tilespmem:$0x478] =	vst v0  }
0x4a: {  	[tilespmem:$0x488] =	vst v0  }
0x4b: {  	[tilespmem:$0x498] =	vst v0  }
0x4c: {  	[tilespmem:$0x4A8] =	vst v0  }
0x4d: {  	[tilespmem:$0x4B8] =	vst v0  }
0x4e: {  	[tilespmem:$0x4C8] =	vst v0  }
0x4f: {  	[tilespmem:$0x4D8] =	vst v0  }
0x50: {  	[tilespmem:$0x4E8] =	vst v0  }
0x51: {  	[tilespmem:$0x4F8] =	vst v0  }
0x52: {  	[tilespmem:$0x508] =	vst v0  }
0x53: {  	[tilespmem:$0x518] =	vst v0  }
0x54: {  	[tilespmem:$0x528] =	vst v0  }
0x55: {  	[tilespmem:$0x538] =	vst v0  }
0x56: {  	[tilespmem:$0x548] =	vst v0  }
0x57: {  	[tilespmem:$0x558] =	vst v0  }
0x58: {  	[tilespmem:$0x568] =	vst v0  }
0x59: {  	[tilespmem:$0x578] =	vst v0  }
0x5a: {  	[tilespmem:$0x588] =	vst v0  }
0x5b: {  	[tilespmem:$0x598] =	vst v0  }
0x5c: {  	[tilespmem:$0x5A8] =	vst v0  }
0x5d: {  	[tilespmem:$0x5B8] =	vst v0  }
0x5e: {  	[tilespmem:$0x5C8] =	vst v0  }
0x5f: {  	[tilespmem:$0x5D8] =	vst v0  }
0x60: {  	[tilespmem:$0x5E8] =	vst v0  }
0x61: {  	[tilespmem:$0x5F8] =	vst v0  }
0x62: {  	[tilespmem:$0x608] =	vst v0  }
0x63: {  	[tilespmem:$0x618] =	vst v0  }
0x64: {  	[tilespmem:$0x628] =	vst v0  }
0x65: {  	[tilespmem:$0x638] =	vst v0  }
0x66: {  	[tilespmem:$0x648] =	vst v0  }
0x67: {  	[tilespmem:$0x658] =	vst v0  }
0x68: {  	[tilespmem:$0x668] =	vst v0  }
0x69: {  	[tilespmem:$0x678] =	vst v0  }
0x6a: {  	[tilespmem:$0x688] =	vst v0  }
0x6b: {  	[tilespmem:$0x698] =	vst v0  }
0x6c: {  	[tilespmem:$0x6A8] =	vst v0  }
0x6d: {  	[tilespmem:$0x6B8] =	vst v0  }
0x6e: {  	[tilespmem:$0x6C8] =	vst v0  }
0x6f: {  	[tilespmem:$0x6D8] =	vst v0  }
0x70: {  	[tilespmem:$0x6E8] =	vst v0  }
0x71: {  	[tilespmem:$0x6F8] =	vst v0  }
0x72: {  	[tilespmem:$0x708] =	vst v0  }
0x73: {  	[tilespmem:$0x718] =	vst v0  }
0x74: {  	[tilespmem:$0x728] =	vst v0  }
0x75: {  	[tilespmem:$0x738] =	vst v0  }
0x76: {  	[tilespmem:$0x748] =	vst v0  }
0x77: {  	[tilespmem:$0x758] =	vst v0  }
0x78: {  	[tilespmem:$0x768] =	vst v0  }
0x79: {  	[tilespmem:$0x778] =	vst v0  }
0x7a: {  	[tilespmem:$0x788] =	vst v0  }
0x7b: {  	[tilespmem:$0x798] =	vst v0  }
0x7c: {  	[tilespmem:$0x7A8] =	vst v0  }
0x7d: {  	[tilespmem:$0x7B8] =	vst v0  }
0x7e: {  	[tilespmem:$0x7C8] =	vst v0  }
0x7f: {  	[tilespmem:$0x7D8] =	vst v0  }
0x80: {  	[tilespmem:$0x7E8] =	vst v0  }
0x81: {  	[tilespmem:$0x7F8] =	vst v0  }
0x82: {  	[tilespmem:$0x808] =	vst v0  }
0x83: {  	[tilespmem:$0x818] =	vst v0  }
0x84: {  	[tilespmem:$0x828] =	vst v0  }
0x85: {  	[tilespmem:$0x838] =	vst v0  }
0x86: {  	[tilespmem:$0x848] =	vst v0  }
0x87: {  	[tilespmem:$0x858] =	vst v0  }
0x88: {  	[tilespmem:$0x868] =	vst v0  }
0x89: {  	[tilespmem:$0x878] =	vst v0  }
0x8a: {  	[tilespmem:$0x888] =	vst v0  }
0x8b: {  	[tilespmem:$0x898] =	vst v0  }
0x8c: {  	[tilespmem:$0x8A8] =	vst v0  }
0x8d: {  	[tilespmem:$0x8B8] =	vst v0  }
0x8e: {  	[tilespmem:$0x8C8] =	vst v0  }
0x8f: {  	[tilespmem:$0x8D8] =	vst v0  }
0x90: {  	[tilespmem:$0x8E8] =	vst v0  }
0x91: {  	[tilespmem:$0x8F8] =	vst v0  }
0x92: {  	[tilespmem:$0x908] =	vst v0  }
0x93: {  	[tilespmem:$0x918] =	vst v0  }
0x94: {  	[tilespmem:$0x928] =	vst v0  }
0x95: {  	[tilespmem:$0x938] =	vst v0  }
0x96: {  	[tilespmem:$0x948] =	vst v0  }
0x97: {  	[tilespmem:$0x958] =	vst v0  }
0x98: {  	[tilespmem:$0x968] =	vst v0  }
0x99: {  	[tilespmem:$0x978] =	vst v0  }
0x9a: {  	[tilespmem:$0x988] =	vst v0  }
0x9b: {  	[tilespmem:$0x998] =	vst v0  }
0x9c: {  	[tilespmem:$0x9A8] =	vst v0  }
0x9d: {  	[tilespmem:$0x9B8] =	vst v0  }
0x9e: {  	[tilespmem:$0x9C8] =	vst v0  }
0x9f: {  	[tilespmem:$0x9D8] =	vst v0  }
0xa0: {  	[tilespmem:$0x9E8] =	vst v0  }
0xa1: {  	[tilespmem:$0x9F8] =	vst v0  }
0xa2: {  	[tilespmem:$0xA08] =	vst v0  }
0xa3: {  	[tilespmem:$0xA18] =	vst v0  }
0xa4: {  	[tilespmem:$0xA28] =	vst v0  }
0xa5: {  	[tilespmem:$0xA38] =	vst v0  }
0xa6: {  	[tilespmem:$0xA48] =	vst v0  }
0xa7: {  	[tilespmem:$0xA58] =	vst v0  }
0xa8: {  	[tilespmem:$0xA68] =	vst v0  }
0xa9: {  	[tilespmem:$0xA78] =	vst v0  }
0xaa: {  	[tilespmem:$0xA88] =	vst v0  }
0xab: {  	[tilespmem:$0xA98] =	vst v0  }
0xac: {  	[tilespmem:$0xAA8] =	vst v0  }
0xad: {  	[tilespmem:$0xAB8] =	vst v0  }
0xae: {  	[tilespmem:$0xAC8] =	vst v0  }
0xaf: {  	[tilespmem:$0xAD8] =	vst v0  }
0xb0: {  	[tilespmem:$0xAE8] =	vst v0  }
0xb1: {  	[tilespmem:$0xAF8] =	vst v0  }
0xb2: {  	[tilespmem:$0xB08] =	vst v0  }
0xb3: {  	[tilespmem:$0xB18] =	vst v0  }
0xb4: {  	[tilespmem:$0xB28] =	vst v0  }
0xb5: {  	[tilespmem:$0xB38] =	vst v0  }
0xb6: {  	[tilespmem:$0xB48] =	vst v0  }
0xb7: {  	[tilespmem:$0xB58] =	vst v0  }
0xb8: {  	[tilespmem:$0xB68] =	vst v0  }
0xb9: {  	[tilespmem:$0xB78] =	vst v0  }
0xba: {  	[tilespmem:$0xB88] =	vst v0  }
0xbb: {  	[tilespmem:$0xB98] =	vst v0  }
0xbc: {  	[tilespmem:$0xBA8] =	vst v0  }
0xbd: {  	[tilespmem:$0xBB8] =	vst v0  }
0xbe: {  	[tilespmem:$0xBC8] =	vst v0  }
0xbf: {  	[tilespmem:$0xBD8] =	vst v0  }
0xc0: {  	[tilespmem:$0xBE8] =	vst v0  }
0xc1: {  	[tilespmem:$0xBF8] =	vst v0  }
0xc2: {  	[tilespmem:$0xC08] =	vst v0  }
0xc3: {  	[tilespmem:$0xC18] =	vst v0  }
0xc4: {  	[tilespmem:$0xC28] =	vst v0  }
0xc5: {  	[tilespmem:$0xC38] =	vst v0  }
0xc6: {  	[tilespmem:$0xC48] =	vst v0  }
0xc7: {  	[tilespmem:$0xC58] =	vst v0  }
0xc8: {  	[tilespmem:$0xC68] =	vst v0  }
0xc9: {  	[tilespmem:$0xC78] =	vst v0  }
0xca: {  	[tilespmem:$0xC88] =	vst v0  }
0xcb: {  	[tilespmem:$0xC98] =	vst v0  }
0xcc: {  	[tilespmem:$0xCA8] =	vst v0  }
0xcd: {  	[tilespmem:$0xCB8] =	vst v0  }
0xce: {  	[tilespmem:$0xCC8] =	vst v0  }
0xcf: {  	[tilespmem:$0xCD8] =	vst v0  }
0xd0: {  	[tilespmem:$0xCE8] =	vst v0  }
0xd1: {  	[tilespmem:$0xCF8] =	vst v0  }
0xd2: {  	[tilespmem:$0xD08] =	vst v0  }
0xd3: {  	[tilespmem:$0xD18] =	vst v0  }
0xd4: {  	[tilespmem:$0xD28] =	vst v0  }
0xd5: {  	[tilespmem:$0xD38] =	vst v0  }
0xd6: {  	[tilespmem:$0xD48] =	vst v0  }
0xd7: {  	[tilespmem:$0xD58] =	vst v0  }
0xd8: {  	[tilespmem:$0xD68] =	vst v0  }
0xd9: {  	[tilespmem:$0xD78] =	vst v0  }
0xda: {  	[tilespmem:$0xD88] =	vst v0  }
0xdb: {  	[tilespmem:$0xD98] =	vst v0  }
0xdc: {  	[tilespmem:$0xDA8] =	vst v0  }
0xdd: {  	[tilespmem:$0xDB8] =	vst v0  }
0xde: {  	[tilespmem:$0xDC8] =	vst v0  }
0xdf: {  	[tilespmem:$0xDD8] =	vst v0  }
0xe0: {  	[tilespmem:$0xDE8] =	vst v0  }
0xe1: {  	[tilespmem:$0xDF8] =	vst v0  }
0xe2: {  	[tilespmem:$0xE08] =	vst v0  }
0xe3: {  	[tilespmem:$0xE18] =	vst v0  }
0xe4: {  	[tilespmem:$0xE28] =	vst v0  }
0xe5: {  	[tilespmem:$0xE38] =	vst v0  }
0xe6: {  	[tilespmem:$0xE48] =	vst v0  }
0xe7: {  	[tilespmem:$0xE58] =	vst v0  }
0xe8: {  	[tilespmem:$0xE68] =	vst v0  }
0xe9: {  	[tilespmem:$0xE78] =	vst v0  }
0xea: {  	[tilespmem:$0xE88] =	vst v0  }
0xeb: {  	[tilespmem:$0xE98] =	vst v0  }
0xec: {  	[tilespmem:$0xEA8] =	vst v0  }
0xed: {  	[tilespmem:$0xEB8] =	vst v0  }
0xee: {  	[tilespmem:$0xEC8] =	vst v0  }
0xef: {  	[tilespmem:$0xED8] =	vst v0  }
0xf0: {  	[tilespmem:$0xEE8] =	vst v0  }
0xf1: {  	[tilespmem:$0xEF8] =	vst v0  }
0xf2: {  	[tilespmem:$0xF08] =	vst v0  }
0xf3: {  	[tilespmem:$0xF18] =	vst v0  }
0xf4: {  	[tilespmem:$0xF28] =	vst v0  }
0xf5: {  	[tilespmem:$0xF38] =	vst v0  }
0xf6: {  	[tilespmem:$0xF48] =	vst v0  }
0xf7: {  	[tilespmem:$0xF58] =	vst v0  }
0xf8: {  	[tilespmem:$0xF68] =	vst v0  }
0xf9: {  	[tilespmem:$0xF78] =	vst v0  }
0xfa: {  	[tilespmem:$0xF88] =	vst v0  }
0xfb: {  	[tilespmem:$0xF98] =	vst v0  }
0xfc: {  	[tilespmem:$0xFA8] =	vst v0  }
0xfd: {  	[tilespmem:$0xFB8] =	vst v0  }
0xfe: {  	[tilespmem:$0xFC8] =	vst v0  }
0xff: {  	[tilespmem:$0xFD8] =	vst v0  }
0x100: {  	[tilespmem:$0xFE8] =	vst v0  }
0x101: {  	[tilespmem:$0xFF8] =	vst v0  }
0x102: {  	[tilespmem:$0x1008] =	vst v0  }
0x103: {  	[tilespmem:$0x10D8] =	vst v0  }
0x104: {  	[tilespmem:$0x1048] =	vst v0  }
0x105: {  	[tilespmem:$0x1B28] =	vst v0  }
0x106: {  	[tilespmem:$0x1B18] =	vst v0  }
0x107: {  	[tilespmem:$0x1B08] =	vst v0  }
0x108: {  	[tilespmem:$0x1AF8] =	vst v0  }
0x109: {  	[tilespmem:$0x1AE8] =	vst v0  }
0x10a: {  	[tilespmem:$0x1AD8] =	vst v0  }
0x10b: {  	[tilespmem:$0x1AC8] =	vst v0  }
0x10c: {  	[tilespmem:$0x1AB8] =	vst v0  }
0x10d: {  	[tilespmem:$0x1AA8] =	vst v0  }
0x10e: {  	[tilespmem:$0x1A98] =	vst v0  }
0x10f: {  	[tilespmem:$0x1A88] =	vst v0  }
0x110: {  	[tilespmem:$0x1A78] =	vst v0  }
0x111: {  	[tilespmem:$0x1A68] =	vst v0  }
0x112: {  	[tilespmem:$0x1A58] =	vst v0  }
0x113: {  	[tilespmem:$0x1A48] =	vst v0  }
0x114: {  	[tilespmem:$0x1A38] =	vst v0  }
0x115: {  	[tilespmem:$0x1A28] =	vst v0  }
0x116: {  	[tilespmem:$0x1A18] =	vst v0  }
0x117: {  	[tilespmem:$0x1A08] =	vst v0  }
0x118: {  	[tilespmem:$0x19F8] =	vst v0  }
0x119: {  	[tilespmem:$0x19E8] =	vst v0  }
0x11a: {  	[tilespmem:$0x19D8] =	vst v0  }
0x11b: {  	[tilespmem:$0x19C8] =	vst v0  }
0x11c: {  	[tilespmem:$0x19B8] =	vst v0  }
0x11d: {  	[tilespmem:$0x19A8] =	vst v0  }
0x11e: {  	[tilespmem:$0x1998] =	vst v0  }
0x11f: {  	[tilespmem:$0x1988] =	vst v0  }
0x120: {  	[tilespmem:$0x1978] =	vst v0  }
0x121: {  	[tilespmem:$0x1968] =	vst v0  }
0x122: {  	[tilespmem:$0x1958] =	vst v0  }
0x123: {  	[tilespmem:$0x1948] =	vst v0  }
0x124: {  	[tilespmem:$0x1938] =	vst v0  }
0x125: {  	[tilespmem:$0x1928] =	vst v0  }
0x126: {  	[tilespmem:$0x1918] =	vst v0  }
0x127: {  	[tilespmem:$0x1908] =	vst v0  }
0x128: {  	[tilespmem:$0x18F8] =	vst v0  }
0x129: {  	[tilespmem:$0x18E8] =	vst v0  }
0x12a: {  	[tilespmem:$0x18D8] =	vst v0  }
0x12b: {  	[tilespmem:$0x18C8] =	vst v0  }
0x12c: {  	[tilespmem:$0x18B8] =	vst v0  }
0x12d: {  	[tilespmem:$0x18A8] =	vst v0  }
0x12e: {  	[tilespmem:$0x1898] =	vst v0  }
0x12f: {  	[tilespmem:$0x1888] =	vst v0  }
0x130: {  	[tilespmem:$0x1878] =	vst v0  }
0x131: {  	[tilespmem:$0x1868] =	vst v0  }
0x132: {  	[tilespmem:$0x1858] =	vst v0  }
0x133: {  	[tilespmem:$0x1848] =	vst v0  }
0x134: {  	[tilespmem:$0x1838] =	vst v0  }
0x135: {  	[tilespmem:$0x1828] =	vst v0  }
0x136: {  	[tilespmem:$0x1818] =	vst v0  }
0x137: {  	[tilespmem:$0x1808] =	vst v0  }
0x138: {  	[tilespmem:$0x17F8] =	vst v0  }
0x139: {  	[tilespmem:$0x17E8] =	vst v0  }
0x13a: {  	[tilespmem:$0x17D8] =	vst v0  }
0x13b: {  	[tilespmem:$0x17C8] =	vst v0  }
0x13c: {  	[tilespmem:$0x17B8] =	vst v0  }
0x13d: {  	[tilespmem:$0x17A8] =	vst v0  }
0x13e: {  	[tilespmem:$0x1798] =	vst v0  }
0x13f: {  	[tilespmem:$0x1788] =	vst v0  }
0x140: {  	[tilespmem:$0x1778] =	vst v0  }
0x141: {  	[tilespmem:$0x1768] =	vst v0  }
0x142: {  	[tilespmem:$0x1758] =	vst v0  }
0x143: {  	[tilespmem:$0x1748] =	vst v0  }
0x144: {  	[tilespmem:$0x1738] =	vst v0  }
0x145: {  	[tilespmem:$0x1728] =	vst v0  }
0x146: {  	[tilespmem:$0x1718] =	vst v0  }
0x147: {  	[tilespmem:$0x1708] =	vst v0  }
0x148: {  	[tilespmem:$0x16F8] =	vst v0  }
0x149: {  	[tilespmem:$0x16E8] =	vst v0  }
0x14a: {  	[tilespmem:$0x16D8] =	vst v0  }
0x14b: {  	[tilespmem:$0x16C8] =	vst v0  }
0x14c: {  	[tilespmem:$0x16B8] =	vst v0  }
0x14d: {  	[tilespmem:$0x16A8] =	vst v0  }
0x14e: {  	[tilespmem:$0x1698] =	vst v0  }
0x14f: {  	[tilespmem:$0x1688] =	vst v0  }
0x150: {  	[tilespmem:$0x1678] =	vst v0  }
0x151: {  	[tilespmem:$0x1668] =	vst v0  }
0x152: {  	[tilespmem:$0x1658] =	vst v0  }
0x153: {  	[tilespmem:$0x1648] =	vst v0  }
0x154: {  	[tilespmem:$0x1638] =	vst v0  }
0x155: {  	[tilespmem:$0x1628] =	vst v0  }
0x156: {  	[tilespmem:$0x1618] =	vst v0  }
0x157: {  	[tilespmem:$0x1608] =	vst v0  }
0x158: {  	[tilespmem:$0x15F8] =	vst v0  }
0x159: {  	[tilespmem:$0x15E8] =	vst v0  }
0x15a: {  	[tilespmem:$0x15D8] =	vst v0  }
0x15b: {  	[tilespmem:$0x15C8] =	vst v0  }
0x15c: {  	[tilespmem:$0x15B8] =	vst v0  }
0x15d: {  	[tilespmem:$0x15A8] =	vst v0  }
0x15e: {  	[tilespmem:$0x1598] =	vst v0  }
0x15f: {  	[tilespmem:$0x1588] =	vst v0  }
0x160: {  	[tilespmem:$0x1578] =	vst v0  }
0x161: {  	[tilespmem:$0x1568] =	vst v0  }
0x162: {  	[tilespmem:$0x1558] =	vst v0  }
0x163: {  	[tilespmem:$0x1548] =	vst v0  }
0x164: {  	[tilespmem:$0x1538] =	vst v0  }
0x165: {  	[tilespmem:$0x1528] =	vst v0  }
0x166: {  	[tilespmem:$0x1518] =	vst v0  }
0x167: {  	[tilespmem:$0x1508] =	vst v0  }
0x168: {  	[tilespmem:$0x14F8] =	vst v0  }
0x169: {  	[tilespmem:$0x14E8] =	vst v0  }
0x16a: {  	[tilespmem:$0x14D8] =	vst v0  }
0x16b: {  	[tilespmem:$0x14C8] =	vst v0  }
0x16c: {  	[tilespmem:$0x14B8] =	vst v0  }
0x16d: {  	[tilespmem:$0x14A8] =	vst v0  }
0x16e: {  	[tilespmem:$0x1498] =	vst v0  }
0x16f: {  	[tilespmem:$0x1488] =	vst v0  }
0x170: {  	[tilespmem:$0x1478] =	vst v0  }
0x171: {  	[tilespmem:$0x1468] =	vst v0  }
0x172: {  	[tilespmem:$0x1458] =	vst v0  }
0x173: {  	[tilespmem:$0x1448] =	vst v0  }
0x174: {  	[tilespmem:$0x1438] =	vst v0  }
0x175: {  	[tilespmem:$0x1428] =	vst v0  }
0x176: {  	[tilespmem:$0x1418] =	vst v0  }
0x177: {  	[tilespmem:$0x1408] =	vst v0  }
0x178: {  	[tilespmem:$0x13F8] =	vst v0  }
0x179: {  	[tilespmem:$0x13E8] =	vst v0  }
0x17a: {  	[tilespmem:$0x13D8] =	vst v0  }
0x17b: {  	[tilespmem:$0x13C8] =	vst v0  }
0x17c: {  	[tilespmem:$0x13B8] =	vst v0  }
0x17d: {  	[tilespmem:$0x13A8] =	vst v0  }
0x17e: {  	[tilespmem:$0x1398] =	vst v0  }
0x17f: {  	[tilespmem:$0x1388] =	vst v0  }
0x180: {  	[tilespmem:$0x1378] =	vst v0  }
0x181: {  	[tilespmem:$0x1368] =	vst v0  }
0x182: {  	[tilespmem:$0x1358] =	vst v0  }
0x183: {  	[tilespmem:$0x1348] =	vst v0  }
0x184: {  	[tilespmem:$0x1338] =	vst v0  }
0x185: {  	[tilespmem:$0x1328] =	vst v0  }
0x186: {  	[tilespmem:$0x1318] =	vst v0  }
0x187: {  	[tilespmem:$0x1308] =	vst v0  }
0x188: {  	[tilespmem:$0x12F8] =	vst v0  }
0x189: {  	[tilespmem:$0x12E8] =	vst v0  }
0x18a: {  	[tilespmem:$0x12D8] =	vst v0  }
0x18b: {  	[tilespmem:$0x12C8] =	vst v0  }
0x18c: {  	[tilespmem:$0x12B8] =	vst v0  }
0x18d: {  	[tilespmem:$0x12A8] =	vst v0  }
0x18e: {  	[tilespmem:$0x1298] =	vst v0  }
0x18f: {  	[tilespmem:$0x1288] =	vst v0  }
0x190: {  	[tilespmem:$0x1278] =	vst v0  }
0x191: {  	[tilespmem:$0x1268] =	vst v0  }
0x192: {  	[tilespmem:$0x1258] =	vst v0  }
0x193: {  	[tilespmem:$0x1248] =	vst v0  }
0x194: {  	[tilespmem:$0x1238] =	vst v0  }
0x195: {  	[tilespmem:$0x1228] =	vst v0  }
0x196: {  	[tilespmem:$0x1218] =	vst v0  }
0x197: {  	[tilespmem:$0x1208] =	vst v0  }
0x198: {  	[tilespmem:$0x11F8] =	vst v0  }
0x199: {  	[tilespmem:$0x11E8] =	vst v0  }
0x19a: {  	[tilespmem:$0x11D8] =	vst v0  }
0x19b: {  	[tilespmem:$0x11C8] =	vst v0  }
0x19c: {  	[tilespmem:$0x11B8] =	vst v0  }
0x19d: {  	[tilespmem:$0x11A8] =	vst v0  }
0x19e: {  	[tilespmem:$0x1198] =	vst v0  }
0x19f: {  	[tilespmem:$0x1188] =	vst v0  }
0x1a0: {  	[tilespmem:$0x1178] =	vst v0  }
0x1a1: {  	[tilespmem:$0x1168] =	vst v0  }
0x1a2: {  	[tilespmem:$0x1158] =	vst v0  }
0x1a3: {  	[tilespmem:$0x1148] =	vst v0  }
0x1a4: {  	[tilespmem:$0x1138] =	vst v0  }
0x1a5: {  	[tilespmem:$0x1128] =	vst v0  }
0x1a6: {  	s5 =	stileid.u32;
	[tilespmem:$0x1118] =	vst v0  }
0x1a7: {  	s0 =	smul.u32 $0x17, s5;
	[tilespmem:$0x1108] =	vst v0  }
0x1a8: {  	s1 =	smin.u32 s5, $0x3;
	[tilespmem:$0x10F8] =	vst v0  }
0x1a9: {  	[tilespmem:$0x10E8] =	vst v0;
	s0 =	sadd.s32 s1, s0  }
0x1aa: {  	p0 =	slt.u32 s5, $0x3;
	[tilespmem:$0x10B8] =	vst v0;
	s1 =	simm.s32 $0x2880;
	s7 =	smul.u32 $0x1B0, s0  }
0x1ab: {  	s1 =	simm.s32 @!p0 $0x26D0;
	[tilespmem:$0x10C8] =	vst v0  }
0x1ac: {  	[tilespmem:$0x10A8] =	vst v0;
	s0 =	sadd.s32 s1, s7  }
0x1ad: {  	s3 =	simm.s32 $0x2;
	[tilespmem:$0x1038] =	vst v0;
	s8 =	smin.u32 s0, $0x27100  }
0x1ae: {  	s9 =	simm.s32 $0x9;
	s11 =	simm.s32 $0xA;
	[tilespmem:$0x1098] =	vst v0;
	s0 =	ssub.s32 s8, s7  }
0x1af: {  	s29 =	simm.s32 $0xB;
	s16 =	simm.s32 $0x0;
	[tilespmem:$0x1088] =	vst v0;
	p0 =	sgt.s32 s0, $0x0  }
0x1b0: {  	p4 =	por $0x0, $0x0;
	s17 =	simm.s32 $0xC;
	[tilespmem:$0x1078] =	vst v0;
	s0 =	simm.s32 @!p0 $0x0  }
0x1b1: {  	s21 =	simm.s32 $0x0;
	s18 =	simm.s32 $0x0;
	[tilespmem:$0x1068] =	vst v0;
	s26 =	smulhi.u32 $0x4BDA12F7, s0  }
0x1b2: {  	s20 =	simm.s32 $0x0;
	s6 =	sand.u32 $0x1, s2;
	s31 =	sshll.u32 s5, $0x5;
	[tilespmem:$0x1058] =	vst v0  }
0x1b3: {  	[dreg:$0x5] =	wrdreg s6;
	s6 =	smul.u32 $0x4E20, s6;
	[tilespmem:$0x1028] =	vst v0;
	s1 =	sshrl.u32 s26, $0x7  }
0x1b4: {  	[tilespmem:$0x1018] =	vst v0;
	[sflag:s3] =	ssyncpa.u1 $0x0;
	v0 =	vimm.s32 $0xFFFFFFFF;
	s3 =	sadd.s32 $0x4F5C00, s4;
	s28 =	smul.u32 $0x1B0, s1  }
.Ltmp0:
0x1b5: {  	[dreg:$0x4] =	wrdreg s31;
	[tilespmem:$0x3648] =	vst v0;
	[sflag:s9] =	ssyncpa.u1 $0x0;
	(pc) =	sbr.rel .LBB2_1-.Ltmp0, $4  }
0x1b6: {  	[sflag:s11] =	ssyncpa.u1 $0x0;
	s30 =	sadd.s32 s6, s4;
	p0 =	sne.s32 s0, s28  }
0x1b7: {  	[sflag:s29] =	ssyncpa.u1 $0x0;
	s14 =	sadd.s32 $0x4EBE00, s30;
	s12 =	simm.s32 @!p0 $0x0  }
0x1b8: {  	s15 =	sadd.s32 $0x4E2000, s30;
	s19 =	smov.u32 s7;
	s12 =	sadd.s32 s12, s1  }
0x1b9: {  	v0 =	vlaneseq.u32;
	[dreg:$0x6] =	wrdreg s7;
	p0 =	por $0x1, $0x1;
	s5 =	sadd.s32 $0x1, s12  }
.LBB2_18:
0x1ba: {  	s0 =	simm.s32 $0x2  }
0x1bb: {  	_ =	swait.ge [sflag:s0], $0x0  }
0x1bc: {  	[sflag:s0] =	ssyncset.done $0x0;
	s0 =	simm.s32 $0x0  }
.LBB2_19:
0x1bd: {  	_ =	swait.ge [sflag:s17], s0  }
0x1be: {  	s31 =	ssub.s32 $0x0, s0;
	v1 =	vmov s23;
	vm0 =	veq.s32 v0, $0x0;
	[sflag:s17] =	ssyncset.done $0x0  }
0x1bf: {  	vm15 =	veq.s32 v0, $0x2;
	v1 =	vsel vm0, s28, v1;
	[sflag:s17] =	ssyncadd.s32 s31  }
0x1c0: {  	v1 =	vsel vm15, s21, v1;
	[sflag:s17] =	ssyncpa.u1 $0x1  }
0x1c1: {  	[tilespmem:$0x3648] =	vst v1  }
.LBB2_20:
0x1c2: {  	s0 =	sadd.s32 $0x1B0, s19  }
0x1c3: {  	s1 =	smov.u32 s7;
	p1 =	slt.s32 s0, s8  }
0x1c4: {  	s1 =	smov.u32 @p1 s0;
	p1 =	sne.s32 s20, s5  }
.Ltmp1:
0x1c5: {  	_ = 	snop;
	(pc) =	sbr.rel @!p1 .LBB2_21-.Ltmp1, $4  }
0x1c6: {  	_ = 	snop  }
0x1c7: {  	s21 =	smov.u32 s18  }
0x1c8: {  	s31 =	sadd.s32 $0x1, s20;
	s18 =	smov.u32 s19;
	p0 =	por !p0, !p0  }
0x1c9: {  	p4 =	por !p4, !p4;
	s20 =	smov.u32 s31;
	s19 =	smov.u32 s1  }
.LBB2_1:
0x1ca: {  	p2 =	sge.u32 s20, s12  }
0x1cb: {  	s0 =	smulhi.u32 @!p2 $0xAAAAAAAB, s20  }
0x1cc: {  	s1 =	smov.u32 s19;
	p3 =	sgt.s32 @!p2 s19, $0x26F50  }
0x1cd: {  	s2 =	sshra.s32 @!p2 s19, $0x1F;
	p3 =	por !p3, p2;
	s0 =	sshrl.u32 @!p2 s0, $0x1  }
0x1ce: {  	s2 =	sand.u32 @!p2 s2, s19;
	s1 =	simm.s32 @p3 $0x26F50;
	s0 =	smul.u32 @!p2 $0x3, s0  }
0x1cf: {  	s1 =	ssub.s32 @!p2 s1, s2  }
0x1d0: {  	s23 =	sadd.s32 $0xFFFFFFFF, s20;
	s1 =	sadd.s32 @!p2 $0xFFFD90B0, s1;
	s0 =	ssub.s32 @!p2 s20, s0  }
0x1d1: {  	s2 =	sshll.u32 @!p2 s1, $0x2;
	p3 =	sgt.s32 @!p2 s1, $0x1AF;
	s0 =	smul.u32 @!p2 $0x6C0, s0  }
0x1d2: {  	s6 =	sand.u32 @!p2 $0x7, s19;
	s1 =	ssub.s32 @!p2 $0x6C0, s2;
	p3 =	por !p3, p2  }
0x1d3: {  	s2 =	sshrl.u32 @!p2 s19, $0x3;
	s1 =	sshrl.u32 @!p2 s1, $0x2;
	s0 =	sshrl.u32 @!p2 s0, $0x2  }
0x1d4: {  	s2 =	sadd.s32 @!p2 s2, s14;
	s1 =	simm.s32 @!p3 $0x0;
	s0 =	sadd.s32 @!p2 $0x3888, s0  }
0x1d5: {  	[tilespmem:s0], [sflag:$0xA] =	stream.linear.gather @!p2 [hbm4b:s2+s6], s1, $0x38;
	[tilespmem:$0x1F0F8] =	vst v63  }
0x1d6: {  	p2 =	sge.u32 s23, s12  }
0x1d7: {  	p3 =	sgt.s32 @!p2 s18, $0x26F50  }
0x1d8: {  	s0 =	smov.u32 s18;
	s1 =	sshra.s32 @!p2 s18, $0x1F;
	p3 =	por !p3, p2  }
0x1d9: {  	s1 =	sand.u32 @!p2 s1, s18;
	s0 =	simm.s32 @p3 $0x26F50  }
0x1da: {  	s0 =	ssub.s32 @!p2 s0, s1  }
0x1db: {  	s0 =	sadd.s32 @!p2 $0xFFFD90B0, s0  }
0x1dc: {  	s1 =	sshll.u32 @!p2 s0, $0x2  }
0x1dd: {  	p3 =	sgt.s32 @!p2 s0, $0x1AF;
	s0 =	ssub.s32 @!p2 $0x6C0, s1  }
0x1de: {  	s22 =	ssub.s32 @!p2 $0x27100, s18;
	p3 =	por !p3, p2;
	s0 =	sshrl.u32 @!p2 s0, $0x2  }
0x1df: {  	s1 =	sand.u32 @!p2 $0x1, s23;
	s0 =	simm.s32 @!p3 $0x0;
	p3 =	slt.s32 @!p2 s22, $0x1  }
0x1e0: {  	s2 =	simm.s32 @!p2 $0xA;
	s1 =	smul.u32 @!p2 $0x6C0, s1;
	p3 =	por p2, p3  }
.Ltmp2:
0x1e1: {  	_ =	swait.ge @!p2 [sflag:s2], s0;
	(pc) =	sbr.rel @p3 .LBB2_7-.Ltmp2, $4  }
0x1e2: {  	s6 =	ssub.s32 @!p2 $0x0, s0;
	[sflag:s2] =	ssyncset.done @!p2 $0x0  }
0x1e3: {  	s1 =	sshrl.u32 @!p2 s1, $0x2;
	[sflag:s2] =	ssyncadd.s32 @!p2 s6;
	s2 =	sshrl.u32 @!p2 s18, $0x3  }
0x1e4: {  	s1 =	sadd.s32 @!p2 $0x3D98, s1;
	s6 =	sand.u32 @!p2 $0x7, s18;
	s2 =	sadd.s32 @!p2 s2, s15  }
0x1e5: {  	[tilespmem:s1], [sflag:$0xB] =	stream.linear.gather @!p2 [hbm4b:s2+s6], s0, $0x38;
	[tilespmem:$0x1F0F8] =	vst v63  }
0x1e6: {  	s0 =	smulhi.u32 $0xAAAAAAAB, s23;
	_ =	sdelay $0x1  }
0x1e7: {  	s0 =	sshrl.u32 s0, $0x1  }
0x1e8: {  	s0 =	smul.u32 $0x3, s0;
	_ =	sdelay $0x1  }
0x1e9: {  	s0 =	ssub.s32 s23, s0  }
0x1ea: {  	s1 =	simm.s32 $0x1;
	s0 =	smul.u32 $0x6C0, s0  }
.Ltmp3:
0x1eb: {  	s1 =	simm.s32 @!p0 $0x0;
	(pc) =	sbr.rel .LBB2_4-.Ltmp3, $4  }
0x1ec: {  	s1 =	smul.u32 $0x36000, s1  }
0x1ed: {  	p3 =	slt.s32 @!p2 s22, $0x1B0;
	s0 =	sshrl.u32 s0, $0x2  }
0x1ee: {  	p2 =	por !p3, p2;
	s1 =	sshrl.u32 s1, $0x2;
	s0 =	sadd.s32 $0x3888, s0  }
0x1ef: {  	s24 =	simm.s32 $0x0;
	s22 =	simm.s32 @p2 $0x1B0;
	s23 =	sadd.s32 $0x40F8, s1;
	v1 =	vmov s0  }
.LBB2_3:
0x1f0: {  	p2 =	sge.s32 s24, s22  }
.Ltmp4:
0x1f1: {  	_ = 	snop;
	(pc) =	sbr.rel @p2 .LBB2_7-.Ltmp4, $2  }
0x1f2: {  	_ =	sdelay $0x2  }
0x1f3: {  	s23 =	sadd.s32 $0x800, s23  }
.LBB2_4:
0x1f4: {  	p2 =	sle.s32 s22, s24  }
.Ltmp5:
0x1f5: {  	_ = 	snop;
	(pc) =	sbr.rel @p2 .LBB2_3-.Ltmp5, $2  }
0x1f6: {  	_ =	sdelay $0x2  }
0x1f7: {  	s0 =	smov.u32 s24;
	s24 =	sadd.s32 $0x10, s24  }
0x1f8: {  	s1 =	ssub.s32 s22, s0  }
0x1f9: {  	p2 =	slt.s32 s1, $0x10  }
0x1fa: {  	s1 =	simm.s32 @!p2 $0x10  }
0x1fb: {  	v2 =	vmov s1  }
0x1fc: {  	vm0 =	vgt.s32 v2, v0;
	_ =	sdelay $0x5  }
0x1fd: {  	v2 =	vld.idx.msk [tilespmem:v1+s0+$0x0 ss:$0x1], vm0;
	_ =	sdelay $0x2  }
0x1fe: {  	p2 =	slt.s32 s24, s22;
	s1 =	smov.u32 s22  }
0x1ff: {  	s2 =	smov.u32 s23;
	s25 =	simm.s32 $0x0;
	s1 =	smov.u32 @p2 s24  }
.LBB2_6:
0x200: {  	(v2sf) =	vpush v2, s25;
	_ =	sdelay $0xc  }
0x201: {  	s25 =	sadd.s32 $0x1, s25  }
0x202: {  	s31 =	sadd.s32 s25, s0  }
0x203: {  	p2 =	slt.s32 s31, s1;
	s6 =	spop (v2sf)  }
.Ltmp6:
0x204: {  	s6 =	sshll.u32 s6, $0x4;
	(pc) =	sbr.rel @p2 .LBB2_6-.Ltmp6, $4  }
0x205: {  	s6 =	sand.u32 $0x1FFFFFF0, s6  }
0x206: {  	s6 =	sadd.s32 s4, s6  }
0x207: {  	[tilespmem:s2], [sflag:$0x9] =	stream.linear.gather [hbm4b:s6+s16], $0x9, $0x38;
	[tilespmem:$0x1F0F8] =	vst v63  }
0x208: {  	s2 =	sadd.s32 $0x80, s2  }
.Ltmp7:
0x209: {  	_ = 	snop;
	(pc) =	sbr.rel .LBB2_3-.Ltmp7, $1  }
0x20a: {  	_ =	sdelay $0x3  }
.LBB2_7:
0x20b: {  	p2 =	slt.u32 s20, $0x2  }
.Ltmp8:
0x20c: {  	_ = 	snop;
	(pc) =	sbr.rel @p2 .LBB2_20-.Ltmp8, $1  }
0x20d: {  	_ =	sdelay $0x3  }
0x20e: {  	s0 =	ssub.s32 $0x27100, s21;
	p2 =	sgt.s32 s21, $0x26F50  }
0x20f: {  	s1 =	smov.u32 s21;
	s2 =	sshra.s32 s21, $0x1F;
	p3 =	slt.s32 s0, $0x1B0  }
0x210: {  	s1 =	simm.s32 @!p2 $0x26F50;
	s2 =	sand.u32 s2, s21;
	s0 =	simm.s32 @!p3 $0x1B0  }
0x211: {  	s1 =	ssub.s32 s1, s2;
	s0 =	smul.u32 $0x24, s0  }
0x212: {  	s1 =	sadd.s32 $0xFFFD90B0, s1  }
0x213: {  	s26 =	simm.s32 $0x9;
	s24 =	sshll.u32 s1, $0x2;
	s0 =	sshrl.u32 s0, $0x2  }
0x214: {  	p2 =	sgt.s32 s1, $0x1AF;
	s25 =	ssub.s32 $0x6C0, s24;
	_ =	swait.ge [sflag:s26], s0  }
0x215: {  	s0 =	ssub.s32 $0x0, s0;
	s1 =	sshrl.u32 s25, $0x2;
	[sflag:s26] =	ssyncset.done $0x0  }
0x216: {  	s28 =	simm.s32 $0xB;
	s1 =	simm.s32 @p2 $0x0;
	[sflag:s26] =	ssyncadd.s32 s0  }
0x217: {  	_ =	swait.ge [sflag:s28], s1  }
0x218: {  	s30 =	ssub.s32 $0x0, s1;
	[sflag:s28] =	ssyncset.done $0x0  }
0x219: {  	[sflag:s28] =	ssyncadd.s32 s30  }
0x21a: {  	v1 =	vld [tilespmem:$0x3648];
	_ =	sdelay $0x4  }
0x21b: {  	(v2sf) =	vpush v1, $0x0  }
0x21c: {  	(v2sf) =	vpush v1, $0x1  }
0x21d: {  	(v2sf) =	vpush v1, $0x2;
	_ =	sdelay $0x3  }
0x21e: {  	s0 =	sadd.s32 $0x1B0, s21  }
0x21f: {  	p2 =	slt.s32 s8, s0;
	s1 =	ssub.s32 $0x4E200, s21  }
0x220: {  	s0 =	smov.u32 @p2 s8;
	p2 =	sgt.s32 s1, $0x0  }
0x221: {  	s25 =	ssub.s32 s0, s21;
	s1 =	simm.s32 @!p2 $0x0  }
0x222: {  	p2 =	slt.s32 s1, s25  }
0x223: {  	s25 =	smov.u32 @p2 s1  }
0x224: {  	s24 =	simm.s32 $0x1;
	p2 =	slt.s32 s25, $0x1  }
.Ltmp9:
0x225: {  	s24 =	simm.s32 @!p4 $0x0;
	(pc) =	sbr.rel @p2 .LBB2_12-.Ltmp9, $4  }
0x226: {  	s31 =	smul.u32 $0x6C0, s24  }
0x227: {  	s26 =	spop (v2sf)  }
0x228: {  	s0 =	sshrl.u32 s31, $0x2;
	s29 =	spop (v2sf)  }
0x229: {  	s22 =	sadd.s32 $0x3D98, s0;
	s21 =	spop (v2sf)  }
0x22a: {  	s0 =	smin.u32 s25, $0x10  }
0x22b: {  	v1 =	vmov s0  }
0x22c: {  	p3 =	sgt.s32 s25, $0x10;
	vm1 =	vgt.u32 v1, v0  }
.Ltmp10:
0x22d: {  	_ = 	snop;
	(pc) =	sbr.rel @!p3 .LBB2_11-.Ltmp10, $2  }
0x22e: {  	_ =	sdelay $0x2  }
0x22f: {  	s23 =	simm.s32 $0x10;
	s28 =	sadd.s32 $0xFFFFFFF0, s25;
	s0 =	smov.u32 s22;
	vm0 =	vmmov vm1  }
.LBB2_10:
0x230: {  	s1 =	smin.u32 s28, $0x10;
	s23 =	sadd.s32 $0x10, s23;
	v1 =	vld.msk [tilespmem:s0+$0x0 ss:$0x1], vm1  }
0x231: {  	v2 =	vmov s1;
	p3 =	slt.s32 s23, s25  }
0x232: {  	vm1 =	vgt.u32 v2, v0  }
.Ltmp11:
0x233: {  	(pc) =	sbr.rel @p3 .LBB2_10-.Ltmp11, $3  }
0x234: {  	_ =	sdelay $0x1  }
0x235: {  	v1 =	vshll.u32 v1, $0x4  }
0x236: {  	s28 =	sadd.s32 $0xFFFFFFF0, s28;
	[tilespmem:s0+$0x0] =	vst.msk vm0, v1;
	s0 =	sadd.s32 $0x10, s0;
	vm0 =	vmmov vm1  }
.LBB2_11:
0x237: {  	_ =	sdelay $0x4  }
0x238: {  	v1 =	vld.msk [tilespmem:s0+$0x0 ss:$0x1], vm1;
	_ =	sdelay $0x4  }
0x239: {  	v1 =	vshll.u32 v1, $0x4  }
0x23a: {  	[tilespmem:s0+$0x0] =	vst.msk vm0, v1  }
.LBB2_12:
0x23b: {  	s0 =	sand.u32 $0x1, s20  }
0x23c: {  	s0 =	smul.u32 $0x1B0, s0  }
0x23d: {  	p3 =	sne.s32 s29, $0xFFFFFFFF  }
0x23e: {  	v1 =	vld.msk @!p3 [tilespmem:s0+$0x3D98], $0x1;
	_ =	sdelay $0x4  }
0x23f: {  	(v2sf) =	vpush @!p3 v1, $0x0;
	_ =	sdelay $0xc  }
.Ltmp12:
0x240: {  	_ = 	snop;
	(pc) =	sbr.rel @p2 .LBB2_18-.Ltmp12, $4  }
0x241: {  	_ = 	snop  }
0x242: {  	s28 =	spop @!p3 (v2sf)  }
0x243: {  	s21 =	simm.s32 @!p3 $0x0;
	s23 =	smov.u32 s28  }
0x244: {  	[sflag:s17] =	ssyncpa.u1 $0x0;
	s28 =	smov.u32 @p3 s26;
	s23 =	smov.u32 @p3 s29  }
0x245: {  	v1 =	vld.msk [tilespmem:s22+$0x0], $0x1;
	_ =	sdelay $0x4  }
0x246: {  	(v2sf) =	vpush v1, $0x0;
	_ =	sdelay $0xe  }
0x247: {  	s0 =	simm.s32 @!p4 $0x0;
	s26 =	smul.u32 $0x36000, s24;
	s31 =	spop (v2sf)  }
0x248: {  	s29 =	ssub.s32 $0x0, s25;
	s0 =	simm.s32 @p4 $0x1;
	p2 =	seq.s32 s28, s31  }
0x249: {  	s1 =	smov.u32 s28;
	[smem:$0x7FD] =	sst s0;
	p3 =	sgt.s32 @!p2 s28, $0x0  }
0x24a: {  	s0 =	sshrl.u32 s26, $0x2;
	s26 =	sadd.s32 $0x1, s29;
	p3 =	por !p3, p2  }
0x24b: {  	s1 =	simm.s32 @p3 $0x0;
	p3 =	seq.s32 s26, $0x0  }
.Ltmp13:
0x24c: {  	_ = 	snop;
	(pc) =	sbr.rel @p3 .LBB2_15-.Ltmp13, $4  }
0x24d: {  	s7 =	smov.u32 s5;
	s25 =	simm.s32 $0x0  }
0x24e: {  	s24 =	sadd.s32 $0x40F8, s0;
	s0 =	simm.s32 @!p2 $0x1;
	s2 =	smin.u32 @!p2 s1, $0x270FE  }
0x24f: {  	s30 =	sadd.s32 $0x1, s22;
	s0 =	smov.u32 @p2 s25;
	s6 =	sand.u32 @!p2 $0x3FFF8, s2  }
0x250: {  	s1 =	simm.s32 @!p2 $0x1B38;
	s2 =	sand.u32 @!p2 $0x7, s2;
	s6 =	sadd.s32 @!p2 s3, s6  }
.LBB2_14:
0x251: {  	s5 =	smov.u32 s0  }
0x252: {  	[tilespmem:s1], [sflag:$0x2] =	stream.linear.gather @!p2 [hbm4b:s6+s2], $0x9, $0x38;
	[tilespmem:$0x1F0F8] =	vst v63  }
0x253: {  	s26 =	sadd.s32 $0x1, s26;
	s2 =	smov.u32 s31;
	v1 =	vld.msk [tilespmem:s30+$0x0], $0x1  }
0x254: {  	p3 =	seq.s32 s26, $0x0;
	_ =	sdelay $0x3  }
0x255: {  	(v2sf) =	vpush v1, $0x0;
	_ =	sdelay $0xe  }
0x256: {  	s31 =	spop (v2sf)  }
0x257: {  	p2 =	seq.s32 s2, s31  }
0x258: {  	p4 =	sgt.s32 @!p2 s2, $0x0;
	s1 =	sshll.u32 @!p2 s0, $0x6;
	s0 =	sadd.s32 @!p2 $0x1, s0  }
.Ltmp14:
0x259: {  	p4 =	por !p4, p2;
	s1 =	sshra.s32 @!p2 s1, $0x2;
	(pc) =	sbr.rel @!p3 .LBB2_14-.Ltmp14, $4  }
0x25a: {  	s0 =	smov.u32 @p2 s5;
	s2 =	simm.s32 @p4 $0x0;
	s1 =	sadd.s32 @!p2 $0x1B38, s1  }
0x25b: {  	s2 =	smin.u32 @!p2 s2, $0x270FE  }
0x25c: {  	s5 =	sand.u32 @!p2 $0x3FFF8, s2;
	s2 =	sand.u32 @!p2 $0x7, s2  }
0x25d: {  	s30 =	sadd.s32 $0x1, s30;
	s6 =	sadd.s32 @!p2 s3, s5  }
.LBB2_15:
0x25e: {  	s0 =	smul.u32 $0x24, s0  }
0x25f: {  	[tilespmem:s1], [sflag:$0x2] =	stream.linear.gather @!p2 [hbm4b:s6+s2], $0x9, $0x38;
	[tilespmem:$0x1F0F8] =	vst v63  }
0x260: {  	s31 =	simm.s32 $0x2;
	s0 =	sshrl.u32 s0, $0x2  }
0x261: {  	_ =	swait.ge [sflag:s31], s0  }
0x262: {  	s0 =	ssub.s32 $0x0, s0;
	[sflag:s31] =	ssyncset.done $0x0  }
0x263: {  	[sflag:s31] =	ssyncadd.s32 s0  }
0x264: {  	v1 =	vld.msk [tilespmem:s22+$0x0], $0x1;
	_ =	sdelay $0x4  }
0x265: {  	(v2sf) =	vpush v1, $0x0;
	_ =	sdelay $0xe  }
0x266: {  	s26 =	spop (v2sf)  }
0x267: {  	p2 =	sne.s32 s28, s26  }
0x268: {  	p4 =	sne.s32 @p2 s28, s23  }
0x269: {  	p3 =	por !p4, !p2  }
0x26a: {  	s0 =	simm.s32 @!p3 $0x0  }
0x26b: {  	v1 =	vld.msk @!p3 [tilespmem:s0+$0x1B38], $0x1ff  }
0x26c: {  	p5 =	sgt.u32 @!p3 s28, $0x270FE  }
0x26d: {  	s1 =	sshll.u32 @!p3 s21, $0x6;
	p6 =	por @p2 p5, !p4  }
0x26e: {  	s1 =	sshra.s32 @!p3 s1, $0x2;
	p1 =	por p6, !p2;
	p6 =	por p4, !p2  }
0x26f: {  	s2 =	sadd.s32 @!p3 $0x28, s1;
	s5 =	sand.u32 @!p1 $0x3FFF8, s28;
	s6 =	sshll.u32 @!p6 s21, $0x6  }
0x270: {  	s28 =	sand.u32 @!p1 $0x7, s28;
	[tilespmem:s1+$0x28] =	vst.add.f32.msk @!p3 $0x1ff, v1;
	s1 =	sadd.s32 @!p1 s3, s5;
	s5 =	sshra.s32 @!p6 s6, $0x2  }
0x271: {  	[hbm4b:s1+s28] =	stream.linear.scatter @!p1 [tilespmem:s2], [sflag:$0xC], $0x9, $0x38;
	[tilespmem:$0x1F0F8] =	vst v63  }
0x272: {  	s0 =	rddreg [dreg:$0x4];
	s1 =	sadd.s32 @!p6 $0x28, s5;
	s2 =	simm.s32 @!p6 $0x1  }
0x273: {  	[spmem:s0] =	stream.linear.scatter @!p6 [tilespmem:s1], [sflag:$0x1], $0x9, $0x38;
	[tilespmem:$0x1F0F8] =	vst v63  }
0x274: {  	s0 =	sadd.s32 @p2 $0x1, s21;
	_ =	swait.ge @!p6 [sflag:s2], $0x9  }
0x275: {  	s1 =	sshrl.u32 @p2 s0, $0x4;
	[sflag:s2] =	ssyncset.done @!p6 $0x0  }
0x276: {  	s1 =	smulhi.u32 @p2 $0x97B425F, s1;
	[sflag:s2] =	ssyncadd.s32 @!p6 $0xFFFFFFF7  }
0x277: {  	s28 =	sadd.s32 $0x1, s29;
	v1 =	vld.msk @p2 [tilespmem:s24+$0x0], $0x1ff  }
0x278: {  	p1 =	por @p2 !p5, !p4;
	p4 =	seq.s32 s28, $0x0;
	s1 =	smul.u32 @p2 $0x1B0, s1  }
.Ltmp15:
0x279: {  	p1 =	por !p1, !p2;
	s2 =	simm.s32 @!p3 $0x0;
	(pc) =	sbr.rel @p4 .LBB2_17-.Ltmp15, $4  }
0x27a: {  	s5 =	sshll.u32 @!p2 s21, $0x6;
	s2 =	simm.s32 @!p1 $0x24;
	s0 =	ssub.s32 @p2 s0, s1  }
0x27b: {  	s29 =	simm.s32 $0x0;
	s2 =	sadd.s32 @!p3 $0x0, s2;
	s6 =	sshll.u32 @p2 s0, $0x4  }
0x27c: {  	s30 =	sshra.s32 @!p2 s5, $0x2;
	s1 =	simm.s32 @p2 $0x1;
	s2 =	smov.u32 @p3 s25;
	[tilespmem:s6+$0x28] =	vst.msk @p2 $0x1ff, v1  }
0x27d: {  	s21 =	smov.u32 @p2 s0;
	s29 =	smov.u32 @p2 s2;
	s25 =	smov.u32 @p2 s1;
	v1 =	vld.msk @!p2 [tilespmem:s24+$0x0], $0x1ff  }
.LBB2_16:
0x27e: {  	_ =	sdelay $0x3  }
0x27f: {  	s22 =	sadd.s32 $0x1, s22;
	[tilespmem:s30+$0x28] =	vst.add.f32.msk @!p2 $0x1ff, v1  }
0x280: {  	v1 =	vld.msk [tilespmem:s22+$0x0], $0x1;
	_ =	sdelay $0x4  }
0x281: {  	(v2sf) =	vpush v1, $0x0;
	_ =	sdelay $0xe  }
0x282: {  	s0 =	smov.u32 s26;
	s26 =	spop (v2sf)  }
0x283: {  	p2 =	sne.s32 s0, s26  }
0x284: {  	p5 =	sne.s32 @p2 s0, s23  }
0x285: {  	s5 =	sshll.u32 @!p2 s21, $0x6;
	p4 =	por !p5, !p2  }
0x286: {  	s30 =	sshra.s32 @!p2 s5, $0x2;
	s5 =	sshll.u32 @!p4 s25, $0x6  }
0x287: {  	s5 =	sshra.s32 @!p4 s5, $0x2  }
0x288: {  	p1 =	sgt.u32 @!p4 s0, $0x270FE;
	v1 =	vld.msk @!p4 [tilespmem:s5+$0x1B38], $0x1ff  }
0x289: {  	s31 =	sshll.u32 @!p4 s21, $0x6;
	p6 =	por @p2 p1, !p5;
	p1 =	por @p2 !p1, !p5  }
0x28a: {  	s9 =	simm.s32 @!p4 $0x0;
	s31 =	sshra.s32 @!p4 s31, $0x2;
	p1 =	por !p1, !p2  }
0x28b: {  	p5 =	por p5, !p2;
	s9 =	simm.s32 @!p1 $0x24;
	p1 =	por p6, !p2  }
0x28c: {  	s5 =	sadd.s32 @!p4 $0x28, s31;
	s13 =	sshll.u32 @!p5 s21, $0x6;
	s11 =	sand.u32 @!p1 $0x3FFF8, s0  }
0x28d: {  	s13 =	sshra.s32 @!p5 s13, $0x2;
	s0 =	sand.u32 @!p1 $0x7, s0;
	s11 =	sadd.s32 @!p1 s3, s11;
	[tilespmem:s31+$0x28] =	vst.add.f32.msk @!p4 $0x1ff, v1  }
0x28e: {  	[hbm4b:s11+s0] =	stream.linear.scatter @!p1 [tilespmem:s5], [sflag:$0xC], $0x9, $0x38;
	[tilespmem:$0x1F0F8] =	vst v63  }
0x28f: {  	s1 =	rddreg [dreg:$0x4];
	s0 =	sadd.s32 @!p5 $0x28, s13;
	s5 =	simm.s32 @!p5 $0x1  }
0x290: {  	[spmem:s1] =	stream.linear.scatter @!p5 [tilespmem:s0], [sflag:$0x1], $0x9, $0x38;
	[tilespmem:$0x1F0F8] =	vst v63  }
0x291: {  	s2 =	sadd.s32 @p2 $0x1, s21;
	_ =	swait.ge @!p5 [sflag:s5], $0x9  }
0x292: {  	s6 =	sshrl.u32 @p2 s2, $0x4;
	[sflag:s5] =	ssyncset.done @!p5 $0x0  }
0x293: {  	s24 =	sadd.s32 $0x80, s24;
	s6 =	smulhi.u32 @p2 $0x97B425F, s6;
	[sflag:s5] =	ssyncadd.s32 @!p5 $0xFFFFFFF7  }
0x294: {  	s28 =	sadd.s32 $0x1, s28;
	v1 =	vld.msk @p2 [tilespmem:s24+$0x0], $0x1ff  }
0x295: {  	p3 =	seq.s32 s28, $0x0;
	s6 =	smul.u32 @p2 $0x1B0, s6  }
.Ltmp16:
0x296: {  	_ = 	snop;
	(pc) =	sbr.rel @!p3 .LBB2_16-.Ltmp16, $4  }
0x297: {  	s2 =	ssub.s32 @p2 s2, s6  }
0x298: {  	s9 =	sadd.s32 @!p4 s9, s29;
	s6 =	sshll.u32 @p2 s2, $0x4  }
0x299: {  	s10 =	sadd.s32 @p2 $0x1, s25;
	s9 =	smov.u32 @p4 s29;
	[tilespmem:s6+$0x28] =	vst.msk @p2 $0x1ff, v1  }
0x29a: {  	s25 =	smov.u32 @p2 s10;
	s21 =	smov.u32 @p2 s2;
	s29 =	smov.u32 @p2 s9;
	v1 =	vld.msk @!p2 [tilespmem:s24+$0x0], $0x1ff  }
.LBB2_17:
.Ltmp17:
0x29b: {  	_ = 	snop;
	(pc) =	sbr.rel .LBB2_19-.Ltmp17, $3  }
0x29c: {  	s1 =	sld [smem:$0x7FD];
	_ =	sdelay $0x1  }
0x29d: {  	s0 =	sshrl.u32 s29, $0x2;
	s28 =	smov.u32 s26  }
0x29e: {  	s5 =	smov.u32 s7;
	s7 =	rddreg [dreg:$0x6];
	p4 =	seq.s32 s1, $0x1;
	[tilespmem:s30+$0x28] =	vst.add.f32.msk @!p2 $0x1ff, v1  }
.LBB2_21:
0x29f: {  	_ =	sfence.sel $0x180000  }
0x2a0: {  	s0 =	simm.s32 $0x9;
	[bflag:$0x0] =	sbarrier.arrive $0xFFFF  }
0x2a1: {  	s24 =	simm.s32 $0xA;
	[sflag:s0] =	ssyncpa.u1 $0x1  }
0x2a2: {  	s25 =	simm.s32 $0xB;
	[sflag:s24] =	ssyncpa.u1 $0x1  }
0x2a3: {  	s26 =	simm.s32 $0x2;
	[sflag:s25] =	ssyncpa.u1 $0x1  }
0x2a4: {  	[sflag:s26] =	ssyncpa.u1 $0x1  }
0x2a5: {  	v0 =	vld [tilespmem:$0x3648];
	_ =	sdelay $0x4  }
0x2a6: {  	(v2sf) =	vpush v0, $0x0  }
0x2a7: {  	(v2sf) =	vpush v0, $0x1;
	_ =	sdelay $0x1  }
0x2a8: {  	(v2sf) =	vpush v0, $0x2;
	_ =	sdelay $0xb  }
0x2a9: {  	s0 =	spop (v2sf)  }
0x2aa: {  	s1 =	spop (v2sf)  }
0x2ab: {  	s2 =	smov.u32 s0;
	p0 =	sne.s32 s0, s1  }
0x2ac: {  	s4 =	spop (v2sf);
	s2 =	simm.s32 @!p0 $0xFFFFFFFF  }
0x2ad: {  	v2 =	vimm.s32 $0x1;
	v3 =	vlaneseq.u32;
	p0 =	seq.s32 s4, $0xFFFFFFFF;
	v1 =	vmov s2  }
0x2ae: {  	s16 =	stileid.u32;
	v0 =	vperm.xlane v0, v2;
	p1 =	sne.s32 @!p0 s0, s1;
	v1 =	vperm.xlane v1, v3  }
0x2af: {  	vm0 =	vcmask $0x3F04;
	s6 =	simm.s32 $0x3648;
	s0 =	simm.s32 @!p0 $0x1;
	p1 =	por !p1, p0  }
0x2b0: {  	s2 =	sshll.u32 s16, $0x1;
	s1 =	sshll.u32 @!p0 s4, $0x6;
	s0 =	simm.s32 @p1 $0x0;
	v0 =	vsel vm0, v1, v0  }
0x2b1: {  	s5 =	sor.u32 $0x200, s2;
	s1 =	sshra.s32 @!p0 s1, $0x2;
	s0 =	sor.u32 @!p0 s0, s2;
	[tilespmem:$0x3648] =	vst v0  }
0x2b2: {  	[spmem:s5] =	stream.linear.scatter [tilespmem:s6], [sflag:$0x1], $0x2, $0x38;
	[tilespmem:$0x1F0F8] =	vst v63  }
0x2b3: {  	s1 =	sadd.s32 @!p0 $0x28, s1;
	s0 =	sshll.u32 @!p0 s0, $0x4  }
0x2b4: {  	[spmem:s0] =	stream.linear.scatter @!p0 [tilespmem:s1], [sflag:$0x1], $0x10, $0x38;
	[tilespmem:$0x1F0F8] =	vst v63  }
0x2b5: {  	s0 =	simm.s32 @!p0 $0x12  }
0x2b6: {  	s28 =	simm.s32 $0x1;
	s0 =	simm.s32 @p0 $0x2  }
0x2b7: {  	_ =	swait.ge [sflag:s28], s0  }
0x2b8: {  	s0 =	ssub.s32 $0x0, s0;
	[sflag:s28] =	ssyncset.done $0x0  }
0x2b9: {  	p0 =	sne.s32 s16, $0x0;
	[sflag:s28] =	ssyncadd.s32 s0  }
.Ltmp18:
0x2ba: {  	_ =	sfence.stream.spmem;
	(pc) =	sbr.rel @p0 .LBB2_38-.Ltmp18, $4  }
0x2bb: {  	s29 =	simm.s32 $0x3;
	[bflag:$0x0] =	sbarrier.arrive $0xFFFF  }
0x2bc: {  	s30 =	simm.s32 $0x4;
	[sflag:s29] =	ssyncpa.u1 $0x1  }
0x2bd: {  	s31 =	simm.s32 $0x3C;
	[sflag:s30] =	ssyncpa.u1 $0x1  }
0x2be: {  	s17 =	rddreg [dreg:$0x5];
	[sflag:s31] =	ssyncpa.u1 $0x1  }
0x2bf: {  	_ =	sfence.stream.spmem;
	s0 =	simm.s32 $0x5  }
0x2c0: {  	s1 =	simm.s32 $0x200;
	s2 =	simm.s32 $0x3658;
	[sflag:s0] =	ssyncpa.u1 $0x0  }
0x2c1: {  	[tilespmem:s2], [sflag:$0x5] =	stream.linear.gather [spmem:s1], $0x20, $0x38;
	[tilespmem:$0x1F0F8] =	vst v63  }
0x2c2: {  	s26 =	simm.s32 $0x0;
	s28 =	simm.s32 $0x3678  }
0x2c3: {  	[tilespmem:s28], [sflag:$0x5] =	stream.linear.gather [spmem:s26], $0x200, $0x38;
	[tilespmem:$0x1F0F8] =	vst v63  }
0x2c4: {  	_ =	swait.ge [sflag:s0], $0x220  }
0x2c5: {  	[sflag:s0] =	ssyncset.done $0x0  }
0x2c6: {  	s29 =	simm.s32 $0x0;
	[sflag:s0] =	ssyncadd.s32 $0xFFFFFDE0  }
0x2c7: {  	v0 =	vld.msk [tilespmem:s29+$0x3658], $0x1;
	_ =	sdelay $0x1  }
0x2c8: {  	s30 =	simm.s32 $0x1  }
0x2c9: {  	v1 =	vld.msk [tilespmem:s30+$0x3658], $0x1;
	_ =	sdelay $0x1  }
0x2ca: {  	(v2sf) =	vpush v0, $0x0;
	_ =	sdelay $0x2  }
0x2cb: {  	(v2sf) =	vpush v1, $0x0;
	_ =	sdelay $0x2  }
0x2cc: {  	s31 =	simm.s32 $0x2  }
0x2cd: {  	v0 =	vld.msk [tilespmem:s31+$0x3658], $0x1;
	_ =	sdelay $0x2  }
0x2ce: {  	s4 =	simm.s32 $0xFFFFFFFF;
	s1 =	simm.s32 $0xFFFFFFFF;
	s0 =	simm.s32 $0xC  }
.LBB2_23:
0x2cf: {  	s2 =	smov.u32 s4;
	s5 =	smov.u32 s1  }
0x2d0: {  	s1 =	sshra.s32 s0, $0x2;
	p1 =	sne.s32 s0, $0x7C;
	s0 =	sadd.s32 $0x4, s0;
	(v2sf) =	vpush v0, $0x0  }
0x2d1: {  	v0 =	vld.msk [tilespmem:s1+$0x3658], $0x1  }
.Ltmp19:
0x2d2: {  	(pc) =	sbr.rel @p1 .LBB2_23-.Ltmp19, $4  }
0x2d3: {  	s4 =	spop (v2sf)  }
0x2d4: {  	p2 =	sne.s32 s5, $0xFFFFFFFF;
	s1 =	smov.u32 s4  }
0x2d5: {  	p3 =	seq.s32 s4, $0xFFFFFFFF;
	s1 =	smov.u32 @p2 s5  }
0x2d6: {  	s4 =	smov.u32 @p3 s2;
	s1 =	smov.u32 @p3 s5  }
0x2d7: {  	(v2sf) =	vpush v0, $0x0;
	_ =	sdelay $0x8  }
0x2d8: {  	s0 =	spop (v2sf)  }
0x2d9: {  	p1 =	sne.s32 s1, $0xFFFFFFFF;
	s2 =	smov.u32 s0  }
0x2da: {  	s9 =	simm.s32 $0x6;
	p2 =	seq.s32 s0, $0xFFFFFFFF;
	s2 =	smov.u32 @p1 s1  }
0x2db: {  	s10 =	simm.s32 $0x3638;
	s2 =	smov.u32 @p2 s1;
	s1 =	spop (v2sf)  }
0x2dc: {  	s0 =	smov.u32 @p2 s4;
	p1 =	sne.s32 s2, $0xFFFFFFFF;
	s5 =	smov.u32 s1  }
.Ltmp20:
0x2dd: {  	p2 =	seq.s32 s1, $0xFFFFFFFF;
	s5 =	smov.u32 @p1 s2;
	(pc) =	sbr.rel .LBB2_25-.Ltmp20, $4  }
0x2de: {  	s11 =	simm.s32 $0x0;
	s5 =	smov.u32 @p2 s2;
	s7 =	spop (v2sf)  }
0x2df: {  	[sflag:s9] =	ssyncpa.u1 $0x0;
	p1 =	sne.s32 s5, $0xFFFFFFFF;
	s8 =	smov.u32 s7  }
0x2e0: {  	s1 =	smov.u32 @p2 s0;
	p2 =	seq.s32 s7, $0xFFFFFFFF;
	s8 =	smov.u32 @p1 s5  }
0x2e1: {  	s4 =	simm.s32 $0x0;
	s7 =	smov.u32 @p2 s1;
	s8 =	smov.u32 @p2 s5  }
.LBB2_30:
0x2e2: {  	p1 =	sgt.u32 s12, $0x270FE  }
0x2e3: {  	p2 =	seq.s32 @!p1 s12, s8  }
0x2e4: {  	p1 =	por p1, p2  }
0x2e5: {  	p2 =	sne.s32 @!p1 s12, s7  }
0x2e6: {  	p1 =	por p1, !p2  }
0x2e7: {  	s0 =	sshll.u32 @p1 s11, $0x6  }
0x2e8: {  	s0 =	sand.u32 @!p1 $0x3FFF8, s12  }
0x2e9: {  	s1 =	sand.u32 @!p1 $0x7, s12;
	s0 =	sadd.s32 @!p1 s3, s0  }
0x2ea: {  	[tilespmem:s10], [sflag:$0x6] =	stream.linear.gather @!p1 [hbm4b:s0+s1], $0x9, $0x38;
	[tilespmem:$0x1F0F8] =	vst v63  }
0x2eb: {  	_ =	swait.ge @!p1 [sflag:s9], $0x9  }
0x2ec: {  	[sflag:s9] =	ssyncset.done @!p1 $0x0  }
0x2ed: {  	[sflag:s9] =	ssyncadd.s32 @!p1 $0xFFFFFFF7  }
0x2ee: {  	v1 =	vld @!p1 [tilespmem:$0x3638];
	_ =	sdelay $0x2  }
0x2ef: {  	s0 =	sshll.u32 @!p1 s11, $0x6  }
0x2f0: {  	s1 =	sshrl.u32 @!p1 s0, $0x2  }
0x2f1: {  	[tilespmem:s1+$0x3678] =	vst.add.f32.msk @!p1 $0xffff, v1  }
0x2f2: {  	s0 =	sshrl.u32 s0, $0x2;
	[tilespmem:s4+$0x3658] =	vst.msk $0x1, v0  }
0x2f3: {  	v0 =	vld [tilespmem:s0+$0x3678];
	_ =	sdelay $0x2  }
0x2f4: {  	s31 =	sshll.u32 s4, $0x6  }
0x2f5: {  	s0 =	sshra.s32 s31, $0x2  }
0x2f6: {  	s4 =	sadd.s32 $0x1, s4;
	[tilespmem:s0+$0x3678] =	vst v0  }
.LBB2_32:
0x2f7: {  	s11 =	sadd.s32 $0x1, s11  }
0x2f8: {  	p1 =	sne.s32 s11, $0x20  }
.Ltmp21:
0x2f9: {  	_ = 	snop;
	(pc) =	sbr.rel @!p1 .LBB2_33-.Ltmp21, $1  }
0x2fa: {  	_ =	sdelay $0x3  }
.LBB2_25:
0x2fb: {  	v0 =	vld.msk [tilespmem:s11+$0x3658], $0x1;
	_ =	sdelay $0x4  }
0x2fc: {  	(v2sf) =	vpush v0, $0x0;
	_ =	sdelay $0xe  }
0x2fd: {  	s12 =	spop (v2sf)  }
0x2fe: {  	p1 =	seq.s32 s12, $0xFFFFFFFF  }
.Ltmp22:
0x2ff: {  	_ = 	snop;
	(pc) =	sbr.rel @p1 .LBB2_32-.Ltmp22, $1  }
0x300: {  	_ =	sdelay $0x3  }
0x301: {  	p1 =	slt.s32 s4, $0x1  }
.Ltmp23:
0x302: {  	_ = 	snop;
	(pc) =	sbr.rel @p1 .LBB2_30-.Ltmp23, $1  }
0x303: {  	_ =	sdelay $0x3  }
0x304: {  	s13 =	simm.s32 $0x3658;
	p1 =	por $0x0, $0x0  }
0x305: {  	v1 =	vld.msk @!p1 [tilespmem:s13+$0x0], $0x1;
	_ =	sdelay $0x4  }
0x306: {  	(v2sf) =	vpush @!p1 v1, $0x0;
	_ =	sdelay $0xd  }
0x307: {  	p3 =	sne.s32 s4, $0x1  }
.Ltmp24:
0x308: {  	s0 =	spop @!p1 (v2sf);
	(pc) =	sbr.rel @!p3 .LBB2_29-.Ltmp24, $4  }
0x309: {  	p2 =	seq.s32 @!p1 s12, s0  }
0x30a: {  	s14 =	simm.s32 $0x0;
	p2 =	por !p2, p1  }
0x30b: {  	s0 =	simm.s32 $0xFFFFFFFF;
	s14 =	simm.s32 @p2 $0xFFFFFFFF  }
0x30c: {  	s15 =	simm.s32 $0x1;
	s14 =	smov.u32 @p1 s0  }
.LBB2_28:
0x30d: {  	s0 =	smov.u32 s14;
	p1 =	sne.s32 s14, $0xFFFFFFFF  }
0x30e: {  	s13 =	sadd.s32 $0x1, s13;
	s14 =	smov.u32 s15;
	s15 =	sadd.s32 $0x1, s15  }
0x30f: {  	p2 =	sne.s32 s4, s15;
	v1 =	vld.msk @!p1 [tilespmem:s13+$0x0], $0x1;
	_ =	sdelay $0x4  }
0x310: {  	(v2sf) =	vpush @!p1 v1, $0x0;
	_ =	sdelay $0xe  }
.Ltmp25:
0x311: {  	s1 =	spop @!p1 (v2sf);
	(pc) =	sbr.rel @p2 .LBB2_28-.Ltmp25, $4  }
0x312: {  	p3 =	seq.s32 @!p1 s12, s1  }
0x313: {  	p3 =	por !p3, p1  }
0x314: {  	s14 =	simm.s32 @p3 $0xFFFFFFFF  }
0x315: {  	s14 =	smov.u32 @p1 s0  }
.LBB2_29:
0x316: {  	p1 =	sne.s32 s14, $0xFFFFFFFF  }
.Ltmp26:
0x317: {  	_ = 	snop;
	(pc) =	sbr.rel @!p1 .LBB2_30-.Ltmp26, $1  }
0x318: {  	_ =	sdelay $0x3  }
0x319: {  	s0 =	sshll.u32 s11, $0x4  }
0x31a: {  	s0 =	sand.u32 $0x3FFFFFF0, s0  }
0x31b: {  	v0 =	vld [tilespmem:s0+$0x3678]  }
.Ltmp27:
0x31c: {  	_ = 	snop;
	(pc) =	sbr.rel .LBB2_32-.Ltmp27, $4  }
0x31d: {  	_ = 	snop  }
0x31e: {  	s31 =	sshll.u32 s14, $0x6  }
0x31f: {  	s0 =	sshra.s32 s31, $0x2  }
0x320: {  	[tilespmem:s0+$0x3678] =	vst.add.f32.msk $0xffff, v0  }
.LBB2_33:
0x321: {  	s0 =	simm.s32 $0x6;
	p1 =	seq.s32 s4, $0x0  }
0x322: {  	[sflag:s0] =	ssyncpa.u1 $0x1;
	v0 =	vimm.s32 @p1 $0xFFFFFFFF  }
0x323: {  	s9 =	sadd.s32 $0xFFFFFFFF, s4;
	[tilespmem:$0x3878] =	vst @p1 v0  }
0x324: {  	v0 =	vld.msk @!p1 [tilespmem:s9+$0x3658], $0x1;
	_ =	sdelay $0x1  }
0x325: {  	v1 =	vld.msk @!p1 [tilespmem:$0x3658], $0x1;
	_ =	sdelay $0x2  }
0x326: {  	p2 =	seq.s32 @!p1 s9, $0x0;
	v0 =	vbroadcast @!p1 v0, $0x0  }
0x327: {  	vm0 =	vmmov @!p1 $0x1;
	p2 =	por !p2, p1  }
0x328: {  	v1 =	vnsel @!p1 vm0, $0xFFFFFFFF, v1;
	vm0 =	vcmask @!p1 $0x308;
	v0 =	vpsel !p2, $0xFFFFFFFF, v0  }
0x329: {  	p2 =	sne.s32 @!p1 s8, s7;
	v0 =	vsel @!p1 vm0, v1, v0  }
0x32a: {  	s0 =	simm.s32 @!p1 $0x3678;
	s1 =	simm.s32 @!p1 $0x0;
	p3 =	por !p2, p1;
	[tilespmem:$0x3878] =	vst @!p1 v0  }
0x32b: {  	[spmem:s1] =	stream.linear.scatter @!p1 [tilespmem:s0], [sflag:$0x1], $0x10, $0x38;
	[tilespmem:$0x1F0F8] =	vst v63  }
0x32c: {  	s0 =	sshll.u32 @!p3 s9, $0x6  }
0x32d: {  	s0 =	sshra.s32 @!p3 s0, $0x2  }
0x32e: {  	s1 =	simm.s32 @!p3 $0x10;
	s0 =	sadd.s32 @!p3 $0x3678, s0  }
0x32f: {  	[spmem:s1] =	stream.linear.scatter @!p3 [tilespmem:s0], [sflag:$0x1], $0x10, $0x38;
	[tilespmem:$0x1F0F8] =	vst v63  }
0x330: {  	s0 =	simm.s32 @!p3 $0x1  }
0x331: {  	_ =	swait.ge @!p3 [sflag:s0], $0x20  }
0x332: {  	p1 =	por p2, p1;
	[sflag:s0] =	ssyncset.done @!p3 $0x0  }
0x333: {  	[sflag:s0] =	ssyncadd.s32 @!p3 $0xFFFFFFE0;
	s0 =	simm.s32 @!p1 $0x1  }
0x334: {  	_ =	swait.ge @!p1 [sflag:s0], $0x10  }
0x335: {  	s29 =	simm.s32 $0x3878;
	[sflag:s0] =	ssyncset.done @!p1 $0x0  }
0x336: {  	s30 =	simm.s32 $0x200;
	s31 =	simm.s32 $0x1;
	[sflag:s0] =	ssyncadd.s32 @!p1 $0xFFFFFFF0  }
0x337: {  	[spmem:s30] =	stream.linear.scatter [tilespmem:s29], [sflag:$0x1], $0x10, $0x38;
	[tilespmem:$0x1F0F8] =	vst v63  }
0x338: {  	_ =	swait.ge [sflag:s31], $0x10  }
0x339: {  	[sflag:s31] =	ssyncset.done $0x0  }
0x33a: {  	p1 =	seq.s32 s17, $0x0;
	s8 =	rddreg [dreg:$0x1];
	[sflag:s31] =	ssyncadd.s32 $0xFFFFFFF0  }
0x33b: {  	s1 =	sshll.u32 @p1 s8, $0xE;
	s7 =	rddreg [dreg:$0x2]  }
0x33c: {  	s0 =	sadd.s32 @p1 $0x15C3C, s1;
	s1 =	sshll.u32 @p1 s7, $0x11  }
0x33d: {  	_ =	sfence.stream.spmem;
	s0 =	sor.u32 @p1 s1, s0  }
0x33e: {  	[sflag:s0] =	ssyncadd.remote.s32 @p1 $0x1;
	s0 =	simm.s32 @p1 $0x4  }
0x33f: {  	s2 =	simm.s32 @!p1 $0x3C;
	s1 =	sand.u32 $0xFFFFFFFE, s8;
	_ =	swait.ge @p1 [sflag:s0], $0x6  }
0x340: {  	s5 =	simm.s32 @!p1 $0x0;
	s1 =	sadd.s32 @!p1 $0x4, s1;
	[sflag:s0] =	ssyncset.done @p1 $0x0  }
0x341: {  	s6 =	simm.s32 @!p1 $0x20;
	[sflag:s0] =	ssyncadd.s32 @p1 $0xFFFFFFFA;
	s0 =	sshll.u32 @!p1 s1, $0x1A  }
0x342: {  	s1 =	sshll.u32 @!p1 s1, $0xD;
	s0 =	sor.u32 @!p1 s0, s7;
	_ =	swait.eq @!p1 [sflag:s2], $0x1  }
0x343: {  	s1 =	sor.u32 @!p1 $0x1C04, s1;
	s2 =	simm.s32 @!p1 $0x1C03;
	s0 =	sor.u32 @!p1 $0x80004000, s0  }
0x344: {  	[spmem:s6], [sflag:s1] =	dma.general @!p1 [spmem:s5], [sflag:s2], length:$0x4, [dreg:$0x0], stride_count:$0x0, ici_dest:s0, dma_misc:DstOpCode:WRITE  }
0x345: {  	p2 =	slt.s32 s9, $0x2;
	s5 =	simm.s32 @!p1 $0x40;
	s6 =	simm.s32 @!p1 $0x42  }
0x346: {  	[spmem:s6], [sflag:s1] =	dma.general @!p1 [spmem:s5], [sflag:s2], length:$0x2, [dreg:$0x0], stride_count:$0x0, ici_dest:s0, dma_misc:DstOpCode:WRITE  }
.Ltmp28:
0x347: {  	s0 =	simm.s32 @!p1 $0x3;
	(pc) =	sbr.rel @p2 .LBB2_37-.Ltmp28, $4  }
0x348: {  	s1 =	sshll.u32 @!p1 s8, $0xE;
	_ =	swait.ge @!p1 [sflag:s0], $0x6  }
0x349: {  	s2 =	sshll.u32 @!p1 s7, $0x11;
	s1 =	sadd.s32 @!p1 $0x11C3C, s1;
	[sflag:s0] =	ssyncset.done @!p1 $0x0  }
0x34a: {  	[sflag:s0] =	ssyncadd.s32 @!p1 $0xFFFFFFFA;
	s0 =	sor.u32 @!p1 s2, s1  }
0x34b: {  	[sflag:s0] =	ssyncadd.remote.s32 @!p1 $0xFFFFFFFF;
	s0 =	simm.s32 $0x0  }
0x34c: {  	s0 =	simm.s32 $0x3659  }
0x34d: {  	v0 =	vld.msk [tilespmem:s0+$0x0], $0x1;
	_ =	sdelay $0x4  }
0x34e: {  	(v2sf) =	vpush v0, $0x0;
	_ =	sdelay $0xd  }
0x34f: {  	s2 =	sadd.s32 $0xFFFFFFFE, s4  }
0x350: {  	s2 =	sadd.s32 $0xFFFFFFFF, s2;
	s0 =	spop (v2sf)  }
0x351: {  	p2 =	sne.s32 s2, $0x0;
	p1 =	sgt.u32 s0, $0x270FE  }
.Ltmp29:
0x352: {  	s4 =	sand.u32 @!p1 $0x3FFF8, s0;
	(pc) =	sbr.rel @!p2 .LBB2_36-.Ltmp29, $4  }
0x353: {  	s1 =	simm.s32 $0x3688;
	s0 =	sand.u32 @!p1 $0x7, s0;
	s4 =	sadd.s32 @!p1 s3, s4  }
0x354: {  	[hbm4b:s4+s0] =	stream.linear.scatter @!p1 [tilespmem:s1], [sflag:$0x5], $0x9, $0x38;
	[tilespmem:$0x1F0F8] =	vst v63  }
0x355: {  	s0 =	simm.s32 $0x0  }
0x356: {  	s7 =	simm.s32 $0x365A;
	s4 =	simm.s32 $0x0;
	s0 =	simm.s32 @!p1 $0x24  }
.LBB2_35:
0x357: {  	v0 =	vld.msk [tilespmem:s7+$0x0], $0x1;
	s2 =	sadd.s32 $0xFFFFFFFF, s2;
	s4 =	sadd.s32 s4, s0  }
0x358: {  	p1 =	sne.s32 s2, $0x0;
	_ =	sdelay $0x3  }
0x359: {  	(v2sf) =	vpush v0, $0x0;
	_ =	sdelay $0xe  }
.Ltmp30:
0x35a: {  	s5 =	spop (v2sf);
	(pc) =	sbr.rel @p1 .LBB2_35-.Ltmp30, $4  }
0x35b: {  	s0 =	simm.s32 $0x0;
	p2 =	sgt.u32 s5, $0x270FE  }
0x35c: {  	s1 =	sadd.s32 $0x10, s1;
	s0 =	simm.s32 @!p2 $0x24;
	s6 =	sand.u32 @!p2 $0x3FFF8, s5  }
0x35d: {  	s7 =	sadd.s32 $0x1, s7;
	s5 =	sand.u32 @!p2 $0x7, s5;
	s6 =	sadd.s32 @!p2 s3, s6  }
0x35e: {  	[hbm4b:s6+s5] =	stream.linear.scatter @!p2 [tilespmem:s1], [sflag:$0x5], $0x9, $0x38;
	[tilespmem:$0x1F0F8] =	vst v63  }
.LBB2_36:
0x35f: {  	s0 =	sadd.s32 s4, s0  }
0x360: {  	s0 =	sshrl.u32 s0, $0x2  }
.LBB2_37:
0x361: {  	s1 =	simm.s32 $0x5  }
0x362: {  	_ =	swait.ge [sflag:s1], s0  }
0x363: {  	s31 =	ssub.s32 $0x0, s0;
	[sflag:s1] =	ssyncset.done $0x0  }
0x364: {  	[sflag:s1] =	ssyncadd.s32 s31  }
0x365: {  	[sflag:s1] =	ssyncpa.u1 $0x1  }
.LBB2_38:
0x366: {  	s0 =	sor.u32 s17, s16  }
0x367: {  	p1 =	sne.s32 s0, $0x0  }
.Ltmp31:
0x368: {  	_ = 	snop;
	(pc) =	sbr.rel @p1 .LBB2_53-.Ltmp31, $3  }
0x369: {  	_ =	sdelay $0x1  }
0x36a: {  	[bflag:$0x0] =	sbarrier.arrive $0xFFFF  }
0x36b: {  	_ =	sfence  }
0x36c: {  	s0 =	simm.s32 $0x7  }
0x36d: {  	s1 =	simm.s32 $0x200;
	s2 =	simm.s32 $0x3658;
	[sflag:s0] =	ssyncpa.u1 $0x0  }
0x36e: {  	[tilespmem:s2], [sflag:$0x7] =	stream.linear.gather [spmem:s1], $0x20, $0x38;
	[tilespmem:$0x1F0F8] =	vst v63  }
0x36f: {  	s30 =	simm.s32 $0x3678;
	s1 =	simm.s32 $0x0  }
0x370: {  	[tilespmem:s30], [sflag:$0x7] =	stream.linear.gather [spmem:s1], $0x200, $0x38;
	[tilespmem:$0x1F0F8] =	vst v63  }
.Ltmp32:
0x371: {  	_ = 	snop;
	(pc) =	sbr.rel .LBB2_40-.Ltmp32, $4  }
0x372: {  	_ =	swait.ge [sflag:s0], $0x220  }
0x373: {  	[sflag:s0] =	ssyncset.done $0x0  }
0x374: {  	s31 =	simm.s32 $0x8;
	[sflag:s0] =	ssyncadd.s32 $0xFFFFFDE0  }
0x375: {  	s2 =	simm.s32 $0x0;
	[sflag:s31] =	ssyncpa.u1 $0x0  }
.LBB2_45:
0x376: {  	p1 =	slt.u32 s4, $0x270FF  }
0x377: {  	s0 =	sand.u32 @p1 $0x3FFF8, s4  }
0x378: {  	s4 =	sand.u32 @p1 $0x7, s4;
	s5 =	simm.s32 @p1 $0x3638;
	s0 =	sadd.s32 @p1 s3, s0  }
0x379: {  	[tilespmem:s5], [sflag:$0x8] =	stream.linear.gather @p1 [hbm4b:s0+s4], $0x9, $0x38;
	[tilespmem:$0x1F0F8] =	vst v63  }
0x37a: {  	s0 =	simm.s32 @p1 $0x8  }
0x37b: {  	_ =	swait.ge @p1 [sflag:s0], $0x9  }
0x37c: {  	[sflag:s0] =	ssyncset.done @p1 $0x0  }
0x37d: {  	[sflag:s0] =	ssyncadd.s32 @p1 $0xFFFFFFF7  }
0x37e: {  	v1 =	vld @p1 [tilespmem:$0x3638];
	_ =	sdelay $0x2  }
0x37f: {  	s0 =	sshll.u32 @p1 s2, $0x6  }
0x380: {  	s5 =	sshll.u32 @!p1 s2, $0x6;
	s4 =	sshrl.u32 @p1 s0, $0x2  }
0x381: {  	s5 =	smov.u32 @p1 s0;
	[tilespmem:s4+$0x3678] =	vst.add.f32.msk @p1 $0xffff, v1  }
0x382: {  	s0 =	sshrl.u32 s5, $0x2;
	[tilespmem:s1+$0x3658] =	vst.msk $0x1, v0  }
0x383: {  	v0 =	vld [tilespmem:s0+$0x3678];
	_ =	sdelay $0x2  }
0x384: {  	s31 =	sshll.u32 s1, $0x6  }
0x385: {  	s0 =	sshra.s32 s31, $0x2  }
0x386: {  	s1 =	sadd.s32 $0x1, s1;
	[tilespmem:s0+$0x3678] =	vst v0  }
.LBB2_47:
0x387: {  	s2 =	sadd.s32 $0x1, s2  }
0x388: {  	p1 =	sne.s32 s2, $0x20  }
.Ltmp33:
0x389: {  	_ = 	snop;
	(pc) =	sbr.rel @!p1 .LBB2_48-.Ltmp33, $1  }
0x38a: {  	_ =	sdelay $0x3  }
.LBB2_40:
0x38b: {  	v0 =	vld.msk [tilespmem:s2+$0x3658], $0x1;
	_ =	sdelay $0x4  }
0x38c: {  	(v2sf) =	vpush v0, $0x0;
	_ =	sdelay $0xe  }
0x38d: {  	s4 =	spop (v2sf)  }
0x38e: {  	p1 =	seq.s32 s4, $0xFFFFFFFF  }
.Ltmp34:
0x38f: {  	_ = 	snop;
	(pc) =	sbr.rel @p1 .LBB2_47-.Ltmp34, $1  }
0x390: {  	_ =	sdelay $0x3  }
0x391: {  	p1 =	slt.s32 s1, $0x1  }
.Ltmp35:
0x392: {  	_ = 	snop;
	(pc) =	sbr.rel @p1 .LBB2_45-.Ltmp35, $1  }
0x393: {  	_ =	sdelay $0x3  }
0x394: {  	s5 =	simm.s32 $0x3658;
	p1 =	por $0x0, $0x0  }
0x395: {  	v1 =	vld.msk @!p1 [tilespmem:s5+$0x0], $0x1;
	_ =	sdelay $0x4  }
0x396: {  	(v2sf) =	vpush @!p1 v1, $0x0;
	_ =	sdelay $0xd  }
0x397: {  	p3 =	sne.s32 s1, $0x1  }
.Ltmp36:
0x398: {  	s0 =	spop @!p1 (v2sf);
	(pc) =	sbr.rel @!p3 .LBB2_44-.Ltmp36, $4  }
0x399: {  	p2 =	seq.s32 @!p1 s4, s0  }
0x39a: {  	s6 =	simm.s32 $0x0;
	p2 =	por !p2, p1  }
0x39b: {  	s0 =	simm.s32 $0xFFFFFFFF;
	s6 =	simm.s32 @p2 $0xFFFFFFFF  }
0x39c: {  	s7 =	simm.s32 $0x1;
	s6 =	smov.u32 @p1 s0  }
.LBB2_43:
0x39d: {  	s0 =	smov.u32 s6;
	p1 =	sne.s32 s6, $0xFFFFFFFF  }
0x39e: {  	s5 =	sadd.s32 $0x1, s5;
	s6 =	smov.u32 s7;
	s7 =	sadd.s32 $0x1, s7  }
0x39f: {  	p2 =	sne.s32 s1, s7;
	v1 =	vld.msk @!p1 [tilespmem:s5+$0x0], $0x1;
	_ =	sdelay $0x4  }
0x3a0: {  	(v2sf) =	vpush @!p1 v1, $0x0;
	_ =	sdelay $0xe  }
.Ltmp37:
0x3a1: {  	s8 =	spop @!p1 (v2sf);
	(pc) =	sbr.rel @p2 .LBB2_43-.Ltmp37, $4  }
0x3a2: {  	p3 =	seq.s32 @!p1 s4, s8  }
0x3a3: {  	p3 =	por !p3, p1  }
0x3a4: {  	s6 =	simm.s32 @p3 $0xFFFFFFFF  }
0x3a5: {  	s6 =	smov.u32 @p1 s0  }
.LBB2_44:
0x3a6: {  	p1 =	sne.s32 s6, $0xFFFFFFFF  }
.Ltmp38:
0x3a7: {  	_ = 	snop;
	(pc) =	sbr.rel @!p1 .LBB2_45-.Ltmp38, $1  }
0x3a8: {  	_ =	sdelay $0x3  }
0x3a9: {  	s0 =	sshll.u32 s2, $0x4  }
0x3aa: {  	s0 =	sand.u32 $0x3FFFFFF0, s0  }
0x3ab: {  	v0 =	vld [tilespmem:s0+$0x3678]  }
.Ltmp39:
0x3ac: {  	_ = 	snop;
	(pc) =	sbr.rel .LBB2_47-.Ltmp39, $4  }
0x3ad: {  	_ = 	snop  }
0x3ae: {  	s31 =	sshll.u32 s6, $0x6  }
0x3af: {  	s0 =	sshra.s32 s31, $0x2  }
0x3b0: {  	[tilespmem:s0+$0x3678] =	vst.add.f32.msk $0xffff, v0  }
.LBB2_48:
0x3b1: {  	p1 =	slt.s32 s1, $0x1  }
.Ltmp40:
0x3b2: {  	_ = 	snop;
	(pc) =	sbr.rel @p1 .LBB2_52-.Ltmp40, $3  }
0x3b3: {  	_ =	sdelay $0x1  }
0x3b4: {  	s0 =	simm.s32 $0x8  }
0x3b5: {  	s2 =	simm.s32 $0x0;
	[sflag:s0] =	ssyncpa.u1 $0x1  }
0x3b6: {  	s0 =	simm.s32 $0x3658  }
0x3b7: {  	v0 =	vld.msk [tilespmem:s0+$0x0], $0x1;
	_ =	sdelay $0x4  }
0x3b8: {  	(v2sf) =	vpush v0, $0x0;
	_ =	sdelay $0xe  }
0x3b9: {  	s1 =	sadd.s32 $0xFFFFFFFF, s1;
	s0 =	spop (v2sf)  }
0x3ba: {  	p2 =	sne.s32 s1, $0x0;
	p1 =	sgt.u32 s0, $0x270FE  }
.Ltmp41:
0x3bb: {  	s5 =	sand.u32 @!p1 $0x3FFF8, s0;
	(pc) =	sbr.rel @!p2 .LBB2_51-.Ltmp41, $4  }
0x3bc: {  	s4 =	simm.s32 $0x3678;
	s0 =	sand.u32 @!p1 $0x7, s0;
	s5 =	sadd.s32 @!p1 s3, s5  }
0x3bd: {  	[hbm4b:s5+s0] =	stream.linear.scatter @!p1 [tilespmem:s4], [sflag:$0x7], $0x9, $0x38;
	[tilespmem:$0x1F0F8] =	vst v63  }
0x3be: {  	s0 =	simm.s32 $0x0  }
0x3bf: {  	s5 =	simm.s32 $0x3659;
	s0 =	simm.s32 @!p1 $0x24  }
.LBB2_50:
0x3c0: {  	v0 =	vld.msk [tilespmem:s5+$0x0], $0x1;
	s1 =	sadd.s32 $0xFFFFFFFF, s1;
	s2 =	sadd.s32 s2, s0  }
0x3c1: {  	p1 =	sne.s32 s1, $0x0;
	_ =	sdelay $0x3  }
0x3c2: {  	(v2sf) =	vpush v0, $0x0;
	_ =	sdelay $0xe  }
.Ltmp42:
0x3c3: {  	s6 =	spop (v2sf);
	(pc) =	sbr.rel @p1 .LBB2_50-.Ltmp42, $4  }
0x3c4: {  	s0 =	simm.s32 $0x0;
	p2 =	sgt.u32 s6, $0x270FE  }
0x3c5: {  	s4 =	sadd.s32 $0x10, s4;
	s0 =	simm.s32 @!p2 $0x24;
	s7 =	sand.u32 @!p2 $0x3FFF8, s6  }
0x3c6: {  	s5 =	sadd.s32 $0x1, s5;
	s6 =	sand.u32 @!p2 $0x7, s6;
	s7 =	sadd.s32 @!p2 s3, s7  }
0x3c7: {  	[hbm4b:s7+s6] =	stream.linear.scatter @!p2 [tilespmem:s4], [sflag:$0x7], $0x9, $0x38;
	[tilespmem:$0x1F0F8] =	vst v63  }
.LBB2_51:
0x3c8: {  	s0 =	sadd.s32 s2, s0  }
0x3c9: {  	s2 =	sshrl.u32 s0, $0x2  }
.LBB2_52:
0x3ca: {  	s0 =	simm.s32 $0x7  }
0x3cb: {  	_ =	swait.ge [sflag:s0], s2  }
0x3cc: {  	s1 =	ssub.s32 $0x0, s2;
	[sflag:s0] =	ssyncset.done $0x0  }
0x3cd: {  	[sflag:s0] =	ssyncadd.s32 s1  }
0x3ce: {  	[sflag:s0] =	ssyncpa.u1 $0x1  }
.LBB2_53:
0x3cf: {  	_ =	sfence;
	s0 =	simm.s32 $0x1  }
0x3d0: {  	[sflag:s0] =	ssyncpa.u1 $0x1  }
0x3d1: {  	_ =	strace $0x90000047  }
0x3d2: {  	[bflag:$0x2] =	sbarrier.arrive $0xFFFF  }
0x3d3: {  	s0 =	rddreg [dreg:$0x3]  }
0x3d4: {  	s0 =	sadd.s32 @!p0 $0x100000, s0  }
0x3d5: {  	[sflag:s0] =	ssyncadd.tile.s32 @!p0 $0x1;
	_ =	shalt  }
.Lfunc_end2:
_tile_overlayer_lowered:
.L_overlay_start_2:
0x3d6: {  	(tag) =	ssettag $0x2  }
0x3d7: {  	s0 =	rddreg [dreg:$0x0];
	s2 =	stileid.u32  }
0x3d8: {  	s1 =	rddreg [dreg:$0x1];
	p0 =	sne.s32 s2, $0x0  }
0x3d9: {  	s3 =	rddreg [dreg:$0x2];
	[bflag:$0x3] =	sbarrier.arrive $0xFFFF;
	s2 =	simm.s32 @!p0 $0x1C01  }
0x3da: {  	[timem:s3], [sflag:s2] =	dma.local @!p0 [hbm:s0], s1  }
0x3db: {  	s0 =	simm.s32 @!p0 $0x1  }
0x3dc: {  	_ =	swait.ge @!p0 [sflag:s0], s1  }
0x3dd: {  	s1 =	ssub.s32 @!p0 $0x0, s1;
	[sflag:s0] =	ssyncset.done @!p0 $0x0  }
0x3de: {  	[sflag:s0] =	ssyncadd.s32 @!p0 s1  }
0x3df: {  	[bflag:$0x3] =	sbarrier.arrive $0xFFFF  }
0x3e0: {  	_ =	shalt  }

</sc_bundles>
